<compile_context>
chip_gen: v7x
topology: tpu7x:2x2x1
jax: 0.10.2.dev20260603
libtpu: 0.0.44.dev20260713+nightly
codegen_flags: <defaults>
</compile_context>

<pallas_src>
import functools

import jax
import jax.numpy as jnp
from jax import lax
from jax.experimental import pallas as pl
from jax.experimental.pallas import tpu as pltpu
from jax.experimental.pallas import tpu_sc as plsc

_N_CLASSES = 1000
_B0, _B1 = 1024, 20
_NW = 32
_UNITS = _B1 * (_N_CLASSES // 8)
_BASE = _UNITS // _NW
_EXTRA = _UNITS % _NW
_CHUNKS = _B0 // 16


def _scatter_unit(idx_v, buf, u, val):
    j = u // (_N_CLASSES // 8)
    ct = u % (_N_CLASSES // 8)

    def chunk(k, _):
        v = idx_v[j, pl.ds(k * 16, 16)]
        m = (v >> 3) == ct
        ii = k * 16 + lax.iota(jnp.int32, 16)
        pos = (ii >> 7) * 1024 + ((v & 7) << 7) + (ii & 127)
        plsc.store_scatter(buf, [pos], jnp.full((16,), val, jnp.float32), mask=m)
        return 0

    lax.fori_loop(0, _CHUNKS, chunk, 0)


def _sc_call(idx_t):
    mesh = plsc.VectorSubcoreMesh(core_axis_name="c", subcore_axis_name="s")

    @functools.partial(
        pl.kernel,
        mesh=mesh,
        out_type=jax.ShapeDtypeStruct((_UNITS * 8192,), jnp.float32),
        scratch_types=[
            pltpu.VMEM((_B1, _B0), jnp.int32),
            pltpu.VMEM((8192,), jnp.float32),
            pltpu.VMEM((8192,), jnp.float32),
            pltpu.SemaphoreType.DMA,
            pltpu.SemaphoreType.DMA,
        ],
        compiler_params=pltpu.CompilerParams(needs_layout_passes=False),
    )
    def k(idx_hbm, out_hbm, idx_v, buf0, buf1, sem0, sem1):
        w = lax.axis_index("s") * 2 + lax.axis_index("c")
        pltpu.sync_copy(idx_hbm, idx_v)
        start = w * _BASE + jnp.minimum(w, _EXTRA)
        count = _BASE + (w < _EXTRA).astype(jnp.int32)

        def zero16(k_, _):
            buf0[pl.ds(k_ * 16, 16)] = jnp.zeros((16,), jnp.float32)
            buf1[pl.ds(k_ * 16, 16)] = jnp.zeros((16,), jnp.float32)
            return 0

        lax.fori_loop(0, 8192 // 16, zero16, 0)

        def dma(u, buf, sem):
            return pltpu.make_async_copy(
                buf, out_hbm.at[pl.ds(u * 8192, 8192)], sem
            )

        def unit(n, _):
            u = start + n

            def with_buf(buf, sem):
                @pl.when(n >= 2)
                def _():
                    dma(u - 2, buf, sem).wait()
                    _scatter_unit(idx_v, buf, u - 2, 0.0)

                _scatter_unit(idx_v, buf, u, 1.0)
                dma(u, buf, sem).start()

            @pl.when(n % 2 == 0)
            def _():
                with_buf(buf0, sem0)

            @pl.when(n % 2 == 1)
            def _():
                with_buf(buf1, sem1)

            return 0

        lax.fori_loop(0, count, unit, 0)

        @pl.when(count % 2 == 0)
        def _():
            dma(start + count - 2, buf0, sem0).wait()
            dma(start + count - 1, buf1, sem1).wait()

        @pl.when(count % 2 == 1)
        def _():
            dma(start + count - 2, buf1, sem1).wait()
            dma(start + count - 1, buf0, sem0).wait()

    return k(idx_t)


def kernel(input):
    idx_t = jnp.transpose(input.astype(jnp.int32))
    flat = _sc_call(idx_t)
    out5 = jnp.reshape(flat, (_B1, _N_CLASSES // 8, 8, 8, 128))
    out = jnp.transpose(out5, (2, 4, 0, 1, 3))
    return jnp.reshape(out, (_B0, _B1, _N_CLASSES))

# --- scband reference (transcript-rebuilt; emitter-appended) ---
"""Pipeline reference for scband-discrete-encoder-33457795236011 (READ-ONLY COPY).

The authoritative reference and input builder live on the scoring server;
editing this copy changes nothing except your own understanding.
"""

import jax, jax.numpy as jnp
import numpy as np

N_CLASSES = 1000

def setup_inputs(seed: int = 0) -> dict:
    key = jax.random.key(seed)
    inp = jax.random.randint(key, (1024, 20), 0, N_CLASSES, dtype=jnp.int64 if jax.config.jax_enable_x64 else jnp.int32)
    return {"input": inp}

def reference(input) -> jnp.ndarray:
    # Faithful translation of F.one_hot(input, n).float()
    return jax.nn.one_hot(input, N_CLASSES, dtype=jnp.float32)

if __name__ == "__main__":
    import jax
    _d = setup_inputs()
    print(jax.jit(kernel)(*tuple(_d.values())))

</pallas_src>

<mosaic_0001>
#map = affine_map<(d0, d1) -> (0, 0)>
#map1 = affine_map<(d0, d1) -> (0)>
module attributes {stable_mosaic.version = 14 : i64} {
  func.func @k(%arg0: i32, %arg1: i32, %arg2: memref<20x1024xi32, #tpu.memory_space<hbm>>, %arg3: memref<20480000xf32, #tpu.memory_space<hbm>>, %arg4: memref<20x1024xi32, #tpu.memory_space<vmem>>, %arg5: memref<8192xf32, #tpu.memory_space<vmem>>, %arg6: memref<8192xf32, #tpu.memory_space<vmem>>, %arg7: memref<!tpu.dma_semaphore, #tpu.memory_space<semaphore_mem>>, %arg8: memref<!tpu.dma_semaphore, #tpu.memory_space<semaphore_mem>>) attributes {dimension_semantics = [#tpu.dimension_semantics<core_parallel>, #tpu.dimension_semantics<subcore_parallel>], iteration_bounds = array<i64: 2, 16>, scalar_prefetch = 0 : i64, scratch_operands = 5 : i64, tpu.core_type = #tpu.core_type<sc_vector_subcore>, window_params = [{transform_indices = #map}, {transform_indices = #map1}]} {
    %mul3A = arith.constant 2 : i32
    %mul3A_0 = arith.muli %arg1, %mul3A : i32
    %add3A = arith.addi %mul3A_0, %arg0 : i32
    "tpu.region"() ({
      %run_scoped3A = tpu.sem_alloc : memref<!tpu.dma_semaphore, #tpu.memory_space<semaphore_mem>>
      tpu.enqueue_dma source(%arg2 : memref<20x1024xi32, #tpu.memory_space<hbm>>) target(%arg4 : memref<20x1024xi32, #tpu.memory_space<vmem>>) target_semaphore(%run_scoped3A : memref<!tpu.dma_semaphore, #tpu.memory_space<semaphore_mem>>)
      tpu.wait_dma2 semaphore(%run_scoped3A : memref<!tpu.dma_semaphore, #tpu.memory_space<semaphore_mem>>) src(%arg2 : memref<20x1024xi32, #tpu.memory_space<hbm>>) dst(%arg4 : memref<20x1024xi32, #tpu.memory_space<vmem>>)
      tpu.yield
    }) : () -> ()
    %mul3A_1 = arith.constant 78 : i32
    %mul3A_2 = arith.muli %add3A, %mul3A_1 : i32
    %min3A = arith.constant 4 : i32
    %min3A_3 = arith.minsi %add3A, %min3A : i32
    %add3A_4 = arith.addi %mul3A_2, %min3A_3 : i32
    %lt3A = arith.constant 4 : i32
    %lt3A_5 = arith.cmpi slt, %add3A, %lt3A : i32
    %convert_element_type3A = arith.extui %lt3A_5 : i1 to i32
    %add3A_6 = arith.constant 78 : i32
    %add3A_7 = arith.addi %add3A_6, %convert_element_type3A : i32
    %scan3A = arith.constant 0 : i32
    %scan3A_8 = arith.constant 0 : i32
    %scan3A_9 = arith.constant 512 : i32
    %scan3A_10 = arith.addi %scan3A_8, %scan3A_9 : i32
    %scan3A_11 = arith.constant 1 : i32
    %scan3A_12 = scf.for %scan3A_60 = %scan3A_8 to %scan3A_10 step %scan3A_11 iter_args(%scan3A_61 = %scan3A) -> (i32)  : i32 {
      %broadcast_in_dim3A = arith.constant 0.000000e+00 : f32
      %broadcast_in_dim3A_62 = vector.broadcast %broadcast_in_dim3A : f32 to vector<16xf32>
      %mul3A_63 = arith.constant 16 : i32
      %mul3A_64 = arith.muli %scan3A_60, %mul3A_63 : i32
      %swap3A = arith.index_cast %mul3A_64 : i32 to index
      %swap3A_65 = tpu.vector_load %arg5[%swap3A] {strides = array<i32>} : memref<8192xf32, #tpu.memory_space<vmem>>, vector<16xf32>,
      tpu.vector_store %arg5[%swap3A], %broadcast_in_dim3A_62 {strides = array<i32>} : memref<8192xf32, #tpu.memory_space<vmem>>, vector<16xf32>,
      %broadcast_in_dim3A_66 = arith.constant 0.000000e+00 : f32
      %broadcast_in_dim3A_67 = vector.broadcast %broadcast_in_dim3A_66 : f32 to vector<16xf32>
      %mul3A_68 = arith.constant 16 : i32
      %mul3A_69 = arith.muli %scan3A_60, %mul3A_68 : i32
      %swap3A_70 = arith.index_cast %mul3A_69 : i32 to index
      %swap3A_71 = tpu.vector_load %arg6[%swap3A_70] {strides = array<i32>} : memref<8192xf32, #tpu.memory_space<vmem>>, vector<16xf32>,
      tpu.vector_store %arg6[%swap3A_70], %broadcast_in_dim3A_67 {strides = array<i32>} : memref<8192xf32, #tpu.memory_space<vmem>>, vector<16xf32>,
      %scan3A_72 = arith.constant 0 : i32
      scf.yield %scan3A_72 : i32
    }
    %scan3A_13 = arith.constant 512 : i32
    %while3A = arith.constant 0 : i32
    %while3A_14 = arith.constant 0 : i32
    %while3A_15 = arith.subi %add3A_7, %while3A : i32
    %while3A_16 = arith.addi %while3A, %while3A_15 : i32
    %while3A_17 = arith.constant 1 : i32
    %while3A_18 = arith.divsi %while3A_15, %while3A_17 : i32
    %while3A_19 = arith.muli %while3A_18, %while3A_17 : i32
    %while3A_20 = arith.addi %while3A, %while3A_19 : i32
    %while3A_21 = arith.constant 1 : i32
    %while3A_22 = scf.for %while3A_60 = %while3A to %while3A_20 step %while3A_21 iter_args(%while3A_61 = %while3A_14) -> (i32)  : i32 {
      %add3A_62 = arith.addi %add3A_4, %while3A_60 : i32
      %jit3A_63 = arith.constant 2 : i32
      %eq3A_64 = arith.constant 0 : i32
      %eq3A_65 = arith.cmpi eq, %jit3A_63, %eq3A_64 : i32
      %jit3A_66 = arith.constant 1 : i32
      %select_n3A_67 = arith.select %eq3A_65, %jit3A_66, %jit3A_63 : i32
      %rem3A_68 = arith.remsi %while3A_60, %select_n3A_67 : i32
      %ne3A_69 = arith.constant 0 : i32
      %ne3A_70 = arith.cmpi ne, %rem3A_68, %ne3A_69 : i32
      %lt3A_71 = arith.constant 0 : i32
      %lt3A_72 = arith.cmpi slt, %rem3A_68, %lt3A_71 : i32
      %lt3A_73 = arith.constant 0 : i32
      %lt3A_74 = arith.cmpi slt, %select_n3A_67, %lt3A_73 : i32
      %ne3A_75 = arith.xori %lt3A_72, %lt3A_74 : i1
      %and3A_76 = arith.andi %ne3A_75, %ne3A_70 : i1
      %add3A_77 = arith.addi %rem3A_68, %select_n3A_67 : i32
      %select_n3A_78 = arith.select %and3A_76, %add3A_77, %rem3A_68 : i32
      %eq3A_79 = arith.constant 0 : i32
      %eq3A_80 = arith.cmpi eq, %select_n3A_78, %eq3A_79 : i32
      %convert_element_type3A_81 = arith.extui %eq3A_80 : i1 to i32
      %cond3A_82 = arith.constant 0 : i32
      %cond3A_83 = arith.cmpi ne, %convert_element_type3A_81, %cond3A_82 : i32
      scf.if %cond3A_83 {
        %ge3A = arith.constant 2 : i32
        %ge3A_106 = arith.cmpi sge, %while3A_60, %ge3A : i32
        %convert_element_type3A_107 = arith.extui %ge3A_106 : i1 to i32
        %cond3A_108 = arith.constant 0 : i32
        %cond3A_109 = arith.cmpi ne, %convert_element_type3A_107, %cond3A_108 : i32
        scf.if %cond3A_109 {
          %sub3A_157 = arith.constant 2 : i32
          %sub3A_158 = arith.subi %add3A_62, %sub3A_157 : i32
          %mul3A_159 = arith.constant 8192 : i32
          %mul3A_160 = arith.muli %sub3A_158, %mul3A_159 : i32
          %dma_wait3A = tpu.memref_slice %arg3[%mul3A_160] : memref<20480000xf32, #tpu.memory_space<hbm>> -> memref<8192xf32, #tpu.memory_space<hbm>>
          %dma_wait3A_161 = tpu.memref_slice %arg3[%mul3A_160] : memref<20480000xf32, #tpu.memory_space<hbm>> -> memref<8192xf32, #tpu.memory_space<hbm>>
          tpu.wait_dma2 semaphore(%arg7 : memref<!tpu.dma_semaphore, #tpu.memory_space<semaphore_mem>>) src(%arg5 : memref<8192xf32, #tpu.memory_space<vmem>>) dst(%dma_wait3A_161 : memref<8192xf32, #tpu.memory_space<hbm>>)
          %sub3A_162 = arith.constant 2 : i32
          %sub3A_163 = arith.subi %add3A_62, %sub3A_162 : i32
          %jit3A_164 = arith.constant 125 : i32
          %div3A_165 = arith.divsi %sub3A_163, %jit3A_164 : i32
          %sign3A_166 = arith.constant 0 : i32
          %sign3A_167 = arith.cmpi sgt, %sub3A_163, %sign3A_166 : i32
          %sign3A_168 = arith.extui %sign3A_167 : i1 to i32
          %sign3A_169 = arith.constant 0 : i32
          %sign3A_170 = arith.cmpi slt, %sub3A_163, %sign3A_169 : i32
          %sign3A_171 = arith.extui %sign3A_170 : i1 to i32
          %sign3A_172 = arith.subi %sign3A_168, %sign3A_171 : i32
          %sign3A_173 = arith.constant 0 : i32
          %sign3A_174 = arith.cmpi sgt, %jit3A_164, %sign3A_173 : i32
          %sign3A_175 = arith.extui %sign3A_174 : i1 to i32
          %sign3A_176 = arith.constant 0 : i32
          %sign3A_177 = arith.cmpi slt, %jit3A_164, %sign3A_176 : i32
          %sign3A_178 = arith.extui %sign3A_177 : i1 to i32
          %sign3A_179 = arith.subi %sign3A_175, %sign3A_178 : i32
          %ne3A_180 = arith.cmpi ne, %sign3A_172, %sign3A_179 : i32
          %rem3A_181 = arith.remsi %sub3A_163, %jit3A_164 : i32
          %ne3A_182 = arith.constant 0 : i32
          %ne3A_183 = arith.cmpi ne, %rem3A_181, %ne3A_182 : i32
          %and3A_184 = arith.andi %ne3A_180, %ne3A_183 : i1
          %sub3A_185 = arith.constant 1 : i32
          %sub3A_186 = arith.subi %div3A_165, %sub3A_185 : i32
          %select_n3A_187 = arith.select %and3A_184, %sub3A_186, %div3A_165 : i32
          %jit3A_188 = arith.constant 125 : i32
          %eq3A_189 = arith.constant 0 : i32
          %eq3A_190 = arith.cmpi eq, %jit3A_188, %eq3A_189 : i32
          %jit3A_191 = arith.constant 1 : i32
          %select_n3A_192 = arith.select %eq3A_190, %jit3A_191, %jit3A_188 : i32
          %rem3A_193 = arith.remsi %sub3A_163, %select_n3A_192 : i32
          %ne3A_194 = arith.constant 0 : i32
          %ne3A_195 = arith.cmpi ne, %rem3A_193, %ne3A_194 : i32
          %lt3A_196 = arith.constant 0 : i32
          %lt3A_197 = arith.cmpi slt, %rem3A_193, %lt3A_196 : i32
          %lt3A_198 = arith.constant 0 : i32
          %lt3A_199 = arith.cmpi slt, %select_n3A_192, %lt3A_198 : i32
          %ne3A_200 = arith.xori %lt3A_197, %lt3A_199 : i1
          %and3A_201 = arith.andi %ne3A_200, %ne3A_195 : i1
          %add3A_202 = arith.addi %rem3A_193, %select_n3A_192 : i32
          %select_n3A_203 = arith.select %and3A_201, %add3A_202, %rem3A_193 : i32
          %scan3A_204 = arith.constant 0 : i32
          %scan3A_205 = arith.constant 0 : i32
          %scan3A_206 = arith.constant 64 : i32
          %scan3A_207 = arith.addi %scan3A_205, %scan3A_206 : i32
          %scan3A_208 = arith.constant 1 : i32
          %scan3A_209 = scf.for %scan3A_211 = %scan3A_205 to %scan3A_207 step %scan3A_208 iter_args(%scan3A_212 = %scan3A_204) -> (i32)  : i32 {
            %mul3A_213 = arith.constant 16 : i32
            %mul3A_214 = arith.muli %scan3A_211, %mul3A_213 : i32
            %get3A = arith.index_cast %select_n3A_187 : i32 to index
            %get3A_215 = arith.index_cast %mul3A_214 : i32 to index
            %get3A_216 = tpu.vector_load %arg4[%get3A, %get3A_215] {strides = array<i32>} : memref<20x1024xi32, #tpu.memory_space<vmem>>, vector<16xi32>,
            %shift_right_arithmetic3A = arith.constant 3 : i32
            %shift_right_arithmetic3A_217 = vector.broadcast %shift_right_arithmetic3A : i32 to vector<16xi32>
            %shift_right_arithmetic3A_218 = arith.shrsi %get3A_216, %shift_right_arithmetic3A_217 : vector<16xi32>
            %eq3A_219 = vector.broadcast %select_n3A_203 : i32 to vector<16xi32>
            %eq3A_220 = arith.cmpi eq, %shift_right_arithmetic3A_218, %eq3A_219 : vector<16xi32>
            %mul3A_221 = arith.constant 16 : i32
            %mul3A_222 = arith.muli %scan3A_211, %mul3A_221 : i32
            %iota3A = tpu.iota {dimensions = array<i32: 0>} : vector<16xi32>
            %add3A_223 = vector.broadcast %mul3A_222 : i32 to vector<16xi32>
            %add3A_224 = arith.addi %add3A_223, %iota3A : vector<16xi32>
            %shift_right_arithmetic3A_225 = arith.constant 7 : i32
            %shift_right_arithmetic3A_226 = vector.broadcast %shift_right_arithmetic3A_225 : i32 to vector<16xi32>
            %shift_right_arithmetic3A_227 = arith.shrsi %add3A_224, %shift_right_arithmetic3A_226 : vector<16xi32>
            %mul3A_228 = arith.constant 1024 : i32
            %mul3A_229 = vector.broadcast %mul3A_228 : i32 to vector<16xi32>
            %mul3A_230 = arith.muli %shift_right_arithmetic3A_227, %mul3A_229 : vector<16xi32>
            %and3A_231 = arith.constant 7 : i32
            %and3A_232 = vector.broadcast %and3A_231 : i32 to vector<16xi32>
            %and3A_233 = arith.andi %get3A_216, %and3A_232 : vector<16xi32>
            %shift_left3A = arith.constant 7 : i32
            %shift_left3A_234 = vector.broadcast %shift_left3A : i32 to vector<16xi32>
            %shift_left3A_235 = arith.shli %and3A_233, %shift_left3A_234 : vector<16xi32>
            %add3A_236 = arith.addi %mul3A_230, %shift_left3A_235 : vector<16xi32>
            %and3A_237 = arith.constant 127 : i32
            %and3A_238 = vector.broadcast %and3A_237 : i32 to vector<16xi32>
            %and3A_239 = arith.andi %add3A_224, %and3A_238 : vector<16xi32>
            %add3A_240 = arith.addi %add3A_236, %and3A_239 : vector<16xi32>
            %broadcast_in_dim3A = arith.constant 0.000000e+00 : f32
            %broadcast_in_dim3A_241 = vector.broadcast %broadcast_in_dim3A : f32 to vector<16xf32>
            tpu.vector_store_idx %arg5[%add3A_240], %broadcast_in_dim3A_241 masked %eq3A_220 : memref<8192xf32, #tpu.memory_space<vmem>>[vector<16xi32>], vector<16xf32>, vector<16xi1>
            %scan3A_242 = arith.constant 0 : i32
            scf.yield %scan3A_242 : i32
          }
          %scan3A_210 = arith.constant 64 : i32
        } else {
        }
        %jit3A_110 = arith.constant 125 : i32
        %div3A = arith.divsi %add3A_62, %jit3A_110 : i32
        %sign3A = arith.constant 0 : i32
        %sign3A_111 = arith.cmpi sgt, %add3A_62, %sign3A : i32
        %sign3A_112 = arith.extui %sign3A_111 : i1 to i32
        %sign3A_113 = arith.constant 0 : i32
        %sign3A_114 = arith.cmpi slt, %add3A_62, %sign3A_113 : i32
        %sign3A_115 = arith.extui %sign3A_114 : i1 to i32
        %sign3A_116 = arith.subi %sign3A_112, %sign3A_115 : i32
        %sign3A_117 = arith.constant 0 : i32
        %sign3A_118 = arith.cmpi sgt, %jit3A_110, %sign3A_117 : i32
        %sign3A_119 = arith.extui %sign3A_118 : i1 to i32
        %sign3A_120 = arith.constant 0 : i32
        %sign3A_121 = arith.cmpi slt, %jit3A_110, %sign3A_120 : i32
        %sign3A_122 = arith.extui %sign3A_121 : i1 to i32
        %sign3A_123 = arith.subi %sign3A_119, %sign3A_122 : i32
        %ne3A_124 = arith.cmpi ne, %sign3A_116, %sign3A_123 : i32
        %rem3A_125 = arith.remsi %add3A_62, %jit3A_110 : i32
        %ne3A_126 = arith.constant 0 : i32
        %ne3A_127 = arith.cmpi ne, %rem3A_125, %ne3A_126 : i32
        %and3A_128 = arith.andi %ne3A_124, %ne3A_127 : i1
        %sub3A = arith.constant 1 : i32
        %sub3A_129 = arith.subi %div3A, %sub3A : i32
        %select_n3A_130 = arith.select %and3A_128, %sub3A_129, %div3A : i32
        %jit3A_131 = arith.constant 125 : i32
        %eq3A_132 = arith.constant 0 : i32
        %eq3A_133 = arith.cmpi eq, %jit3A_131, %eq3A_132 : i32
        %jit3A_134 = arith.constant 1 : i32
        %select_n3A_135 = arith.select %eq3A_133, %jit3A_134, %jit3A_131 : i32
        %rem3A_136 = arith.remsi %add3A_62, %select_n3A_135 : i32
        %ne3A_137 = arith.constant 0 : i32
        %ne3A_138 = arith.cmpi ne, %rem3A_136, %ne3A_137 : i32
        %lt3A_139 = arith.constant 0 : i32
        %lt3A_140 = arith.cmpi slt, %rem3A_136, %lt3A_139 : i32
        %lt3A_141 = arith.constant 0 : i32
        %lt3A_142 = arith.cmpi slt, %select_n3A_135, %lt3A_141 : i32
        %ne3A_143 = arith.xori %lt3A_140, %lt3A_142 : i1
        %and3A_144 = arith.andi %ne3A_143, %ne3A_138 : i1
        %add3A_145 = arith.addi %rem3A_136, %select_n3A_135 : i32
        %select_n3A_146 = arith.select %and3A_144, %add3A_145, %rem3A_136 : i32
        %scan3A_147 = arith.constant 0 : i32
        %scan3A_148 = arith.constant 0 : i32
        %scan3A_149 = arith.constant 64 : i32
        %scan3A_150 = arith.addi %scan3A_148, %scan3A_149 : i32
        %scan3A_151 = arith.constant 1 : i32
        %scan3A_152 = scf.for %scan3A_157 = %scan3A_148 to %scan3A_150 step %scan3A_151 iter_args(%scan3A_158 = %scan3A_147) -> (i32)  : i32 {
          %mul3A_159 = arith.constant 16 : i32
          %mul3A_160 = arith.muli %scan3A_157, %mul3A_159 : i32
          %get3A = arith.index_cast %select_n3A_130 : i32 to index
          %get3A_161 = arith.index_cast %mul3A_160 : i32 to index
          %get3A_162 = tpu.vector_load %arg4[%get3A, %get3A_161] {strides = array<i32>} : memref<20x1024xi32, #tpu.memory_space<vmem>>, vector<16xi32>,
          %shift_right_arithmetic3A = arith.constant 3 : i32
          %shift_right_arithmetic3A_163 = vector.broadcast %shift_right_arithmetic3A : i32 to vector<16xi32>
          %shift_right_arithmetic3A_164 = arith.shrsi %get3A_162, %shift_right_arithmetic3A_163 : vector<16xi32>
          %eq3A_165 = vector.broadcast %select_n3A_146 : i32 to vector<16xi32>
          %eq3A_166 = arith.cmpi eq, %shift_right_arithmetic3A_164, %eq3A_165 : vector<16xi32>
          %mul3A_167 = arith.constant 16 : i32
          %mul3A_168 = arith.muli %scan3A_157, %mul3A_167 : i32
          %iota3A = tpu.iota {dimensions = array<i32: 0>} : vector<16xi32>
          %add3A_169 = vector.broadcast %mul3A_168 : i32 to vector<16xi32>
          %add3A_170 = arith.addi %add3A_169, %iota3A : vector<16xi32>
          %shift_right_arithmetic3A_171 = arith.constant 7 : i32
          %shift_right_arithmetic3A_172 = vector.broadcast %shift_right_arithmetic3A_171 : i32 to vector<16xi32>
          %shift_right_arithmetic3A_173 = arith.shrsi %add3A_170, %shift_right_arithmetic3A_172 : vector<16xi32>
          %mul3A_174 = arith.constant 1024 : i32
          %mul3A_175 = vector.broadcast %mul3A_174 : i32 to vector<16xi32>
          %mul3A_176 = arith.muli %shift_right_arithmetic3A_173, %mul3A_175 : vector<16xi32>
          %and3A_177 = arith.constant 7 : i32
          %and3A_178 = vector.broadcast %and3A_177 : i32 to vector<16xi32>
          %and3A_179 = arith.andi %get3A_162, %and3A_178 : vector<16xi32>
          %shift_left3A = arith.constant 7 : i32
          %shift_left3A_180 = vector.broadcast %shift_left3A : i32 to vector<16xi32>
          %shift_left3A_181 = arith.shli %and3A_179, %shift_left3A_180 : vector<16xi32>
          %add3A_182 = arith.addi %mul3A_176, %shift_left3A_181 : vector<16xi32>
          %and3A_183 = arith.constant 127 : i32
          %and3A_184 = vector.broadcast %and3A_183 : i32 to vector<16xi32>
          %and3A_185 = arith.andi %add3A_170, %and3A_184 : vector<16xi32>
          %add3A_186 = arith.addi %add3A_182, %and3A_185 : vector<16xi32>
          %broadcast_in_dim3A = arith.constant 1.000000e+00 : f32
          %broadcast_in_dim3A_187 = vector.broadcast %broadcast_in_dim3A : f32 to vector<16xf32>
          tpu.vector_store_idx %arg5[%add3A_186], %broadcast_in_dim3A_187 masked %eq3A_166 : memref<8192xf32, #tpu.memory_space<vmem>>[vector<16xi32>], vector<16xf32>, vector<16xi1>
          %scan3A_188 = arith.constant 0 : i32
          scf.yield %scan3A_188 : i32
        }
        %scan3A_153 = arith.constant 64 : i32
        %mul3A_154 = arith.constant 8192 : i32
        %mul3A_155 = arith.muli %add3A_62, %mul3A_154 : i32
        %dma_start3A = tpu.memref_slice %arg3[%mul3A_155] : memref<20480000xf32, #tpu.memory_space<hbm>> -> memref<8192xf32, #tpu.memory_space<hbm>>
        %dma_start3A_156 = tpu.memref_slice %arg3[%mul3A_155] : memref<20480000xf32, #tpu.memory_space<hbm>> -> memref<8192xf32, #tpu.memory_space<hbm>>
        tpu.enqueue_dma source(%arg5 : memref<8192xf32, #tpu.memory_space<vmem>>) target(%dma_start3A_156 : memref<8192xf32, #tpu.memory_space<hbm>>) target_semaphore(%arg7 : memref<!tpu.dma_semaphore, #tpu.memory_space<semaphore_mem>>)
      } else {
      }
      %jit3A_84 = arith.constant 2 : i32
      %eq3A_85 = arith.constant 0 : i32
      %eq3A_86 = arith.cmpi eq, %jit3A_84, %eq3A_85 : i32
      %jit3A_87 = arith.constant 1 : i32
      %select_n3A_88 = arith.select %eq3A_86, %jit3A_87, %jit3A_84 : i32
      %rem3A_89 = arith.remsi %while3A_60, %select_n3A_88 : i32
      %ne3A_90 = arith.constant 0 : i32
      %ne3A_91 = arith.cmpi ne, %rem3A_89, %ne3A_90 : i32
      %lt3A_92 = arith.constant 0 : i32
      %lt3A_93 = arith.cmpi slt, %rem3A_89, %lt3A_92 : i32
      %lt3A_94 = arith.constant 0 : i32
      %lt3A_95 = arith.cmpi slt, %select_n3A_88, %lt3A_94 : i32
      %ne3A_96 = arith.xori %lt3A_93, %lt3A_95 : i1
      %and3A_97 = arith.andi %ne3A_96, %ne3A_91 : i1
      %add3A_98 = arith.addi %rem3A_89, %select_n3A_88 : i32
      %select_n3A_99 = arith.select %and3A_97, %add3A_98, %rem3A_89 : i32
      %eq3A_100 = arith.constant 1 : i32
      %eq3A_101 = arith.cmpi eq, %select_n3A_99, %eq3A_100 : i32
      %convert_element_type3A_102 = arith.extui %eq3A_101 : i1 to i32
      %cond3A_103 = arith.constant 0 : i32
      %cond3A_104 = arith.cmpi ne, %convert_element_type3A_102, %cond3A_103 : i32
      scf.if %cond3A_104 {
        %ge3A = arith.constant 2 : i32
        %ge3A_106 = arith.cmpi sge, %while3A_60, %ge3A : i32
        %convert_element_type3A_107 = arith.extui %ge3A_106 : i1 to i32
        %cond3A_108 = arith.constant 0 : i32
        %cond3A_109 = arith.cmpi ne, %convert_element_type3A_107, %cond3A_108 : i32
        scf.if %cond3A_109 {
          %sub3A_157 = arith.constant 2 : i32
          %sub3A_158 = arith.subi %add3A_62, %sub3A_157 : i32
          %mul3A_159 = arith.constant 8192 : i32
          %mul3A_160 = arith.muli %sub3A_158, %mul3A_159 : i32
          %dma_wait3A = tpu.memref_slice %arg3[%mul3A_160] : memref<20480000xf32, #tpu.memory_space<hbm>> -> memref<8192xf32, #tpu.memory_space<hbm>>
          %dma_wait3A_161 = tpu.memref_slice %arg3[%mul3A_160] : memref<20480000xf32, #tpu.memory_space<hbm>> -> memref<8192xf32, #tpu.memory_space<hbm>>
          tpu.wait_dma2 semaphore(%arg8 : memref<!tpu.dma_semaphore, #tpu.memory_space<semaphore_mem>>) src(%arg6 : memref<8192xf32, #tpu.memory_space<vmem>>) dst(%dma_wait3A_161 : memref<8192xf32, #tpu.memory_space<hbm>>)
          %sub3A_162 = arith.constant 2 : i32
          %sub3A_163 = arith.subi %add3A_62, %sub3A_162 : i32
          %jit3A_164 = arith.constant 125 : i32
          %div3A_165 = arith.divsi %sub3A_163, %jit3A_164 : i32
          %sign3A_166 = arith.constant 0 : i32
          %sign3A_167 = arith.cmpi sgt, %sub3A_163, %sign3A_166 : i32
          %sign3A_168 = arith.extui %sign3A_167 : i1 to i32
          %sign3A_169 = arith.constant 0 : i32
          %sign3A_170 = arith.cmpi slt, %sub3A_163, %sign3A_169 : i32
          %sign3A_171 = arith.extui %sign3A_170 : i1 to i32
          %sign3A_172 = arith.subi %sign3A_168, %sign3A_171 : i32
          %sign3A_173 = arith.constant 0 : i32
          %sign3A_174 = arith.cmpi sgt, %jit3A_164, %sign3A_173 : i32
          %sign3A_175 = arith.extui %sign3A_174 : i1 to i32
          %sign3A_176 = arith.constant 0 : i32
          %sign3A_177 = arith.cmpi slt, %jit3A_164, %sign3A_176 : i32
          %sign3A_178 = arith.extui %sign3A_177 : i1 to i32
          %sign3A_179 = arith.subi %sign3A_175, %sign3A_178 : i32
          %ne3A_180 = arith.cmpi ne, %sign3A_172, %sign3A_179 : i32
          %rem3A_181 = arith.remsi %sub3A_163, %jit3A_164 : i32
          %ne3A_182 = arith.constant 0 : i32
          %ne3A_183 = arith.cmpi ne, %rem3A_181, %ne3A_182 : i32
          %and3A_184 = arith.andi %ne3A_180, %ne3A_183 : i1
          %sub3A_185 = arith.constant 1 : i32
          %sub3A_186 = arith.subi %div3A_165, %sub3A_185 : i32
          %select_n3A_187 = arith.select %and3A_184, %sub3A_186, %div3A_165 : i32
          %jit3A_188 = arith.constant 125 : i32
          %eq3A_189 = arith.constant 0 : i32
          %eq3A_190 = arith.cmpi eq, %jit3A_188, %eq3A_189 : i32
          %jit3A_191 = arith.constant 1 : i32
          %select_n3A_192 = arith.select %eq3A_190, %jit3A_191, %jit3A_188 : i32
          %rem3A_193 = arith.remsi %sub3A_163, %select_n3A_192 : i32
          %ne3A_194 = arith.constant 0 : i32
          %ne3A_195 = arith.cmpi ne, %rem3A_193, %ne3A_194 : i32
          %lt3A_196 = arith.constant 0 : i32
          %lt3A_197 = arith.cmpi slt, %rem3A_193, %lt3A_196 : i32
          %lt3A_198 = arith.constant 0 : i32
          %lt3A_199 = arith.cmpi slt, %select_n3A_192, %lt3A_198 : i32
          %ne3A_200 = arith.xori %lt3A_197, %lt3A_199 : i1
          %and3A_201 = arith.andi %ne3A_200, %ne3A_195 : i1
          %add3A_202 = arith.addi %rem3A_193, %select_n3A_192 : i32
          %select_n3A_203 = arith.select %and3A_201, %add3A_202, %rem3A_193 : i32
          %scan3A_204 = arith.constant 0 : i32
          %scan3A_205 = arith.constant 0 : i32
          %scan3A_206 = arith.constant 64 : i32
          %scan3A_207 = arith.addi %scan3A_205, %scan3A_206 : i32
          %scan3A_208 = arith.constant 1 : i32
          %scan3A_209 = scf.for %scan3A_211 = %scan3A_205 to %scan3A_207 step %scan3A_208 iter_args(%scan3A_212 = %scan3A_204) -> (i32)  : i32 {
            %mul3A_213 = arith.constant 16 : i32
            %mul3A_214 = arith.muli %scan3A_211, %mul3A_213 : i32
            %get3A = arith.index_cast %select_n3A_187 : i32 to index
            %get3A_215 = arith.index_cast %mul3A_214 : i32 to index
            %get3A_216 = tpu.vector_load %arg4[%get3A, %get3A_215] {strides = array<i32>} : memref<20x1024xi32, #tpu.memory_space<vmem>>, vector<16xi32>,
            %shift_right_arithmetic3A = arith.constant 3 : i32
            %shift_right_arithmetic3A_217 = vector.broadcast %shift_right_arithmetic3A : i32 to vector<16xi32>
            %shift_right_arithmetic3A_218 = arith.shrsi %get3A_216, %shift_right_arithmetic3A_217 : vector<16xi32>
            %eq3A_219 = vector.broadcast %select_n3A_203 : i32 to vector<16xi32>
            %eq3A_220 = arith.cmpi eq, %shift_right_arithmetic3A_218, %eq3A_219 : vector<16xi32>
            %mul3A_221 = arith.constant 16 : i32
            %mul3A_222 = arith.muli %scan3A_211, %mul3A_221 : i32
            %iota3A = tpu.iota {dimensions = array<i32: 0>} : vector<16xi32>
            %add3A_223 = vector.broadcast %mul3A_222 : i32 to vector<16xi32>
            %add3A_224 = arith.addi %add3A_223, %iota3A : vector<16xi32>
            %shift_right_arithmetic3A_225 = arith.constant 7 : i32
            %shift_right_arithmetic3A_226 = vector.broadcast %shift_right_arithmetic3A_225 : i32 to vector<16xi32>
            %shift_right_arithmetic3A_227 = arith.shrsi %add3A_224, %shift_right_arithmetic3A_226 : vector<16xi32>
            %mul3A_228 = arith.constant 1024 : i32
            %mul3A_229 = vector.broadcast %mul3A_228 : i32 to vector<16xi32>
            %mul3A_230 = arith.muli %shift_right_arithmetic3A_227, %mul3A_229 : vector<16xi32>
            %and3A_231 = arith.constant 7 : i32
            %and3A_232 = vector.broadcast %and3A_231 : i32 to vector<16xi32>
            %and3A_233 = arith.andi %get3A_216, %and3A_232 : vector<16xi32>
            %shift_left3A = arith.constant 7 : i32
            %shift_left3A_234 = vector.broadcast %shift_left3A : i32 to vector<16xi32>
            %shift_left3A_235 = arith.shli %and3A_233, %shift_left3A_234 : vector<16xi32>
            %add3A_236 = arith.addi %mul3A_230, %shift_left3A_235 : vector<16xi32>
            %and3A_237 = arith.constant 127 : i32
            %and3A_238 = vector.broadcast %and3A_237 : i32 to vector<16xi32>
            %and3A_239 = arith.andi %add3A_224, %and3A_238 : vector<16xi32>
            %add3A_240 = arith.addi %add3A_236, %and3A_239 : vector<16xi32>
            %broadcast_in_dim3A = arith.constant 0.000000e+00 : f32
            %broadcast_in_dim3A_241 = vector.broadcast %broadcast_in_dim3A : f32 to vector<16xf32>
            tpu.vector_store_idx %arg6[%add3A_240], %broadcast_in_dim3A_241 masked %eq3A_220 : memref<8192xf32, #tpu.memory_space<vmem>>[vector<16xi32>], vector<16xf32>, vector<16xi1>
            %scan3A_242 = arith.constant 0 : i32
            scf.yield %scan3A_242 : i32
          }
          %scan3A_210 = arith.constant 64 : i32
        } else {
        }
        %jit3A_110 = arith.constant 125 : i32
        %div3A = arith.divsi %add3A_62, %jit3A_110 : i32
        %sign3A = arith.constant 0 : i32
        %sign3A_111 = arith.cmpi sgt, %add3A_62, %sign3A : i32
        %sign3A_112 = arith.extui %sign3A_111 : i1 to i32
        %sign3A_113 = arith.constant 0 : i32
        %sign3A_114 = arith.cmpi slt, %add3A_62, %sign3A_113 : i32
        %sign3A_115 = arith.extui %sign3A_114 : i1 to i32
        %sign3A_116 = arith.subi %sign3A_112, %sign3A_115 : i32
        %sign3A_117 = arith.constant 0 : i32
        %sign3A_118 = arith.cmpi sgt, %jit3A_110, %sign3A_117 : i32
        %sign3A_119 = arith.extui %sign3A_118 : i1 to i32
        %sign3A_120 = arith.constant 0 : i32
        %sign3A_121 = arith.cmpi slt, %jit3A_110, %sign3A_120 : i32
        %sign3A_122 = arith.extui %sign3A_121 : i1 to i32
        %sign3A_123 = arith.subi %sign3A_119, %sign3A_122 : i32
        %ne3A_124 = arith.cmpi ne, %sign3A_116, %sign3A_123 : i32
        %rem3A_125 = arith.remsi %add3A_62, %jit3A_110 : i32
        %ne3A_126 = arith.constant 0 : i32
        %ne3A_127 = arith.cmpi ne, %rem3A_125, %ne3A_126 : i32
        %and3A_128 = arith.andi %ne3A_124, %ne3A_127 : i1
        %sub3A = arith.constant 1 : i32
        %sub3A_129 = arith.subi %div3A, %sub3A : i32
        %select_n3A_130 = arith.select %and3A_128, %sub3A_129, %div3A : i32
        %jit3A_131 = arith.constant 125 : i32
        %eq3A_132 = arith.constant 0 : i32
        %eq3A_133 = arith.cmpi eq, %jit3A_131, %eq3A_132 : i32
        %jit3A_134 = arith.constant 1 : i32
        %select_n3A_135 = arith.select %eq3A_133, %jit3A_134, %jit3A_131 : i32
        %rem3A_136 = arith.remsi %add3A_62, %select_n3A_135 : i32
        %ne3A_137 = arith.constant 0 : i32
        %ne3A_138 = arith.cmpi ne, %rem3A_136, %ne3A_137 : i32
        %lt3A_139 = arith.constant 0 : i32
        %lt3A_140 = arith.cmpi slt, %rem3A_136, %lt3A_139 : i32
        %lt3A_141 = arith.constant 0 : i32
        %lt3A_142 = arith.cmpi slt, %select_n3A_135, %lt3A_141 : i32
        %ne3A_143 = arith.xori %lt3A_140, %lt3A_142 : i1
        %and3A_144 = arith.andi %ne3A_143, %ne3A_138 : i1
        %add3A_145 = arith.addi %rem3A_136, %select_n3A_135 : i32
        %select_n3A_146 = arith.select %and3A_144, %add3A_145, %rem3A_136 : i32
        %scan3A_147 = arith.constant 0 : i32
        %scan3A_148 = arith.constant 0 : i32
        %scan3A_149 = arith.constant 64 : i32
        %scan3A_150 = arith.addi %scan3A_148, %scan3A_149 : i32
        %scan3A_151 = arith.constant 1 : i32
        %scan3A_152 = scf.for %scan3A_157 = %scan3A_148 to %scan3A_150 step %scan3A_151 iter_args(%scan3A_158 = %scan3A_147) -> (i32)  : i32 {
          %mul3A_159 = arith.constant 16 : i32
          %mul3A_160 = arith.muli %scan3A_157, %mul3A_159 : i32
          %get3A = arith.index_cast %select_n3A_130 : i32 to index
          %get3A_161 = arith.index_cast %mul3A_160 : i32 to index
          %get3A_162 = tpu.vector_load %arg4[%get3A, %get3A_161] {strides = array<i32>} : memref<20x1024xi32, #tpu.memory_space<vmem>>, vector<16xi32>,
          %shift_right_arithmetic3A = arith.constant 3 : i32
          %shift_right_arithmetic3A_163 = vector.broadcast %shift_right_arithmetic3A : i32 to vector<16xi32>
          %shift_right_arithmetic3A_164 = arith.shrsi %get3A_162, %shift_right_arithmetic3A_163 : vector<16xi32>
          %eq3A_165 = vector.broadcast %select_n3A_146 : i32 to vector<16xi32>
          %eq3A_166 = arith.cmpi eq, %shift_right_arithmetic3A_164, %eq3A_165 : vector<16xi32>
          %mul3A_167 = arith.constant 16 : i32
          %mul3A_168 = arith.muli %scan3A_157, %mul3A_167 : i32
          %iota3A = tpu.iota {dimensions = array<i32: 0>} : vector<16xi32>
          %add3A_169 = vector.broadcast %mul3A_168 : i32 to vector<16xi32>
          %add3A_170 = arith.addi %add3A_169, %iota3A : vector<16xi32>
          %shift_right_arithmetic3A_171 = arith.constant 7 : i32
          %shift_right_arithmetic3A_172 = vector.broadcast %shift_right_arithmetic3A_171 : i32 to vector<16xi32>
          %shift_right_arithmetic3A_173 = arith.shrsi %add3A_170, %shift_right_arithmetic3A_172 : vector<16xi32>
          %mul3A_174 = arith.constant 1024 : i32
          %mul3A_175 = vector.broadcast %mul3A_174 : i32 to vector<16xi32>
          %mul3A_176 = arith.muli %shift_right_arithmetic3A_173, %mul3A_175 : vector<16xi32>
          %and3A_177 = arith.constant 7 : i32
          %and3A_178 = vector.broadcast %and3A_177 : i32 to vector<16xi32>
          %and3A_179 = arith.andi %get3A_162, %and3A_178 : vector<16xi32>
          %shift_left3A = arith.constant 7 : i32
          %shift_left3A_180 = vector.broadcast %shift_left3A : i32 to vector<16xi32>
          %shift_left3A_181 = arith.shli %and3A_179, %shift_left3A_180 : vector<16xi32>
          %add3A_182 = arith.addi %mul3A_176, %shift_left3A_181 : vector<16xi32>
          %and3A_183 = arith.constant 127 : i32
          %and3A_184 = vector.broadcast %and3A_183 : i32 to vector<16xi32>
          %and3A_185 = arith.andi %add3A_170, %and3A_184 : vector<16xi32>
          %add3A_186 = arith.addi %add3A_182, %and3A_185 : vector<16xi32>
          %broadcast_in_dim3A = arith.constant 1.000000e+00 : f32
          %broadcast_in_dim3A_187 = vector.broadcast %broadcast_in_dim3A : f32 to vector<16xf32>
          tpu.vector_store_idx %arg6[%add3A_186], %broadcast_in_dim3A_187 masked %eq3A_166 : memref<8192xf32, #tpu.memory_space<vmem>>[vector<16xi32>], vector<16xf32>, vector<16xi1>
          %scan3A_188 = arith.constant 0 : i32
          scf.yield %scan3A_188 : i32
        }
        %scan3A_153 = arith.constant 64 : i32
        %mul3A_154 = arith.constant 8192 : i32
        %mul3A_155 = arith.muli %add3A_62, %mul3A_154 : i32
        %dma_start3A = tpu.memref_slice %arg3[%mul3A_155] : memref<20480000xf32, #tpu.memory_space<hbm>> -> memref<8192xf32, #tpu.memory_space<hbm>>
        %dma_start3A_156 = tpu.memref_slice %arg3[%mul3A_155] : memref<20480000xf32, #tpu.memory_space<hbm>> -> memref<8192xf32, #tpu.memory_space<hbm>>
        tpu.enqueue_dma source(%arg6 : memref<8192xf32, #tpu.memory_space<vmem>>) target(%dma_start3A_156 : memref<8192xf32, #tpu.memory_space<hbm>>) target_semaphore(%arg8 : memref<!tpu.dma_semaphore, #tpu.memory_space<semaphore_mem>>)
      } else {
      }
      %while3A_105 = arith.constant 0 : i32
      scf.yield %while3A_105 : i32
    }
    %while3A_23 = arith.constant 1 : i32
    %while3A_24 = scf.for %while3A_60 = %while3A_20 to %while3A_16 step %while3A_23 iter_args(%while3A_61 = %while3A_22) -> (i32)  : i32 {
      %add3A_62 = arith.addi %add3A_4, %while3A_60 : i32
      %jit3A_63 = arith.constant 2 : i32
      %eq3A_64 = arith.constant 0 : i32
      %eq3A_65 = arith.cmpi eq, %jit3A_63, %eq3A_64 : i32
      %jit3A_66 = arith.constant 1 : i32
      %select_n3A_67 = arith.select %eq3A_65, %jit3A_66, %jit3A_63 : i32
      %rem3A_68 = arith.remsi %while3A_60, %select_n3A_67 : i32
      %ne3A_69 = arith.constant 0 : i32
      %ne3A_70 = arith.cmpi ne, %rem3A_68, %ne3A_69 : i32
      %lt3A_71 = arith.constant 0 : i32
      %lt3A_72 = arith.cmpi slt, %rem3A_68, %lt3A_71 : i32
      %lt3A_73 = arith.constant 0 : i32
      %lt3A_74 = arith.cmpi slt, %select_n3A_67, %lt3A_73 : i32
      %ne3A_75 = arith.xori %lt3A_72, %lt3A_74 : i1
      %and3A_76 = arith.andi %ne3A_75, %ne3A_70 : i1
      %add3A_77 = arith.addi %rem3A_68, %select_n3A_67 : i32
      %select_n3A_78 = arith.select %and3A_76, %add3A_77, %rem3A_68 : i32
      %eq3A_79 = arith.constant 0 : i32
      %eq3A_80 = arith.cmpi eq, %select_n3A_78, %eq3A_79 : i32
      %convert_element_type3A_81 = arith.extui %eq3A_80 : i1 to i32
      %cond3A_82 = arith.constant 0 : i32
      %cond3A_83 = arith.cmpi ne, %convert_element_type3A_81, %cond3A_82 : i32
      scf.if %cond3A_83 {
        %ge3A = arith.constant 2 : i32
        %ge3A_106 = arith.cmpi sge, %while3A_60, %ge3A : i32
        %convert_element_type3A_107 = arith.extui %ge3A_106 : i1 to i32
        %cond3A_108 = arith.constant 0 : i32
        %cond3A_109 = arith.cmpi ne, %convert_element_type3A_107, %cond3A_108 : i32
        scf.if %cond3A_109 {
          %sub3A_157 = arith.constant 2 : i32
          %sub3A_158 = arith.subi %add3A_62, %sub3A_157 : i32
          %mul3A_159 = arith.constant 8192 : i32
          %mul3A_160 = arith.muli %sub3A_158, %mul3A_159 : i32
          %dma_wait3A = tpu.memref_slice %arg3[%mul3A_160] : memref<20480000xf32, #tpu.memory_space<hbm>> -> memref<8192xf32, #tpu.memory_space<hbm>>
          %dma_wait3A_161 = tpu.memref_slice %arg3[%mul3A_160] : memref<20480000xf32, #tpu.memory_space<hbm>> -> memref<8192xf32, #tpu.memory_space<hbm>>
          tpu.wait_dma2 semaphore(%arg7 : memref<!tpu.dma_semaphore, #tpu.memory_space<semaphore_mem>>) src(%arg5 : memref<8192xf32, #tpu.memory_space<vmem>>) dst(%dma_wait3A_161 : memref<8192xf32, #tpu.memory_space<hbm>>)
          %sub3A_162 = arith.constant 2 : i32
          %sub3A_163 = arith.subi %add3A_62, %sub3A_162 : i32
          %jit3A_164 = arith.constant 125 : i32
          %div3A_165 = arith.divsi %sub3A_163, %jit3A_164 : i32
          %sign3A_166 = arith.constant 0 : i32
          %sign3A_167 = arith.cmpi sgt, %sub3A_163, %sign3A_166 : i32
          %sign3A_168 = arith.extui %sign3A_167 : i1 to i32
          %sign3A_169 = arith.constant 0 : i32
          %sign3A_170 = arith.cmpi slt, %sub3A_163, %sign3A_169 : i32
          %sign3A_171 = arith.extui %sign3A_170 : i1 to i32
          %sign3A_172 = arith.subi %sign3A_168, %sign3A_171 : i32
          %sign3A_173 = arith.constant 0 : i32
          %sign3A_174 = arith.cmpi sgt, %jit3A_164, %sign3A_173 : i32
          %sign3A_175 = arith.extui %sign3A_174 : i1 to i32
          %sign3A_176 = arith.constant 0 : i32
          %sign3A_177 = arith.cmpi slt, %jit3A_164, %sign3A_176 : i32
          %sign3A_178 = arith.extui %sign3A_177 : i1 to i32
          %sign3A_179 = arith.subi %sign3A_175, %sign3A_178 : i32
          %ne3A_180 = arith.cmpi ne, %sign3A_172, %sign3A_179 : i32
          %rem3A_181 = arith.remsi %sub3A_163, %jit3A_164 : i32
          %ne3A_182 = arith.constant 0 : i32
          %ne3A_183 = arith.cmpi ne, %rem3A_181, %ne3A_182 : i32
          %and3A_184 = arith.andi %ne3A_180, %ne3A_183 : i1
          %sub3A_185 = arith.constant 1 : i32
          %sub3A_186 = arith.subi %div3A_165, %sub3A_185 : i32
          %select_n3A_187 = arith.select %and3A_184, %sub3A_186, %div3A_165 : i32
          %jit3A_188 = arith.constant 125 : i32
          %eq3A_189 = arith.constant 0 : i32
          %eq3A_190 = arith.cmpi eq, %jit3A_188, %eq3A_189 : i32
          %jit3A_191 = arith.constant 1 : i32
          %select_n3A_192 = arith.select %eq3A_190, %jit3A_191, %jit3A_188 : i32
          %rem3A_193 = arith.remsi %sub3A_163, %select_n3A_192 : i32
          %ne3A_194 = arith.constant 0 : i32
          %ne3A_195 = arith.cmpi ne, %rem3A_193, %ne3A_194 : i32
          %lt3A_196 = arith.constant 0 : i32
          %lt3A_197 = arith.cmpi slt, %rem3A_193, %lt3A_196 : i32
          %lt3A_198 = arith.constant 0 : i32
          %lt3A_199 = arith.cmpi slt, %select_n3A_192, %lt3A_198 : i32
          %ne3A_200 = arith.xori %lt3A_197, %lt3A_199 : i1
          %and3A_201 = arith.andi %ne3A_200, %ne3A_195 : i1
          %add3A_202 = arith.addi %rem3A_193, %select_n3A_192 : i32
          %select_n3A_203 = arith.select %and3A_201, %add3A_202, %rem3A_193 : i32
          %scan3A_204 = arith.constant 0 : i32
          %scan3A_205 = arith.constant 0 : i32
          %scan3A_206 = arith.constant 64 : i32
          %scan3A_207 = arith.addi %scan3A_205, %scan3A_206 : i32
          %scan3A_208 = arith.constant 1 : i32
          %scan3A_209 = scf.for %scan3A_211 = %scan3A_205 to %scan3A_207 step %scan3A_208 iter_args(%scan3A_212 = %scan3A_204) -> (i32)  : i32 {
            %mul3A_213 = arith.constant 16 : i32
            %mul3A_214 = arith.muli %scan3A_211, %mul3A_213 : i32
            %get3A = arith.index_cast %select_n3A_187 : i32 to index
            %get3A_215 = arith.index_cast %mul3A_214 : i32 to index
            %get3A_216 = tpu.vector_load %arg4[%get3A, %get3A_215] {strides = array<i32>} : memref<20x1024xi32, #tpu.memory_space<vmem>>, vector<16xi32>,
            %shift_right_arithmetic3A = arith.constant 3 : i32
            %shift_right_arithmetic3A_217 = vector.broadcast %shift_right_arithmetic3A : i32 to vector<16xi32>
            %shift_right_arithmetic3A_218 = arith.shrsi %get3A_216, %shift_right_arithmetic3A_217 : vector<16xi32>
            %eq3A_219 = vector.broadcast %select_n3A_203 : i32 to vector<16xi32>
            %eq3A_220 = arith.cmpi eq, %shift_right_arithmetic3A_218, %eq3A_219 : vector<16xi32>
            %mul3A_221 = arith.constant 16 : i32
            %mul3A_222 = arith.muli %scan3A_211, %mul3A_221 : i32
            %iota3A = tpu.iota {dimensions = array<i32: 0>} : vector<16xi32>
            %add3A_223 = vector.broadcast %mul3A_222 : i32 to vector<16xi32>
            %add3A_224 = arith.addi %add3A_223, %iota3A : vector<16xi32>
            %shift_right_arithmetic3A_225 = arith.constant 7 : i32
            %shift_right_arithmetic3A_226 = vector.broadcast %shift_right_arithmetic3A_225 : i32 to vector<16xi32>
            %shift_right_arithmetic3A_227 = arith.shrsi %add3A_224, %shift_right_arithmetic3A_226 : vector<16xi32>
            %mul3A_228 = arith.constant 1024 : i32
            %mul3A_229 = vector.broadcast %mul3A_228 : i32 to vector<16xi32>
            %mul3A_230 = arith.muli %shift_right_arithmetic3A_227, %mul3A_229 : vector<16xi32>
            %and3A_231 = arith.constant 7 : i32
            %and3A_232 = vector.broadcast %and3A_231 : i32 to vector<16xi32>
            %and3A_233 = arith.andi %get3A_216, %and3A_232 : vector<16xi32>
            %shift_left3A = arith.constant 7 : i32
            %shift_left3A_234 = vector.broadcast %shift_left3A : i32 to vector<16xi32>
            %shift_left3A_235 = arith.shli %and3A_233, %shift_left3A_234 : vector<16xi32>
            %add3A_236 = arith.addi %mul3A_230, %shift_left3A_235 : vector<16xi32>
            %and3A_237 = arith.constant 127 : i32
            %and3A_238 = vector.broadcast %and3A_237 : i32 to vector<16xi32>
            %and3A_239 = arith.andi %add3A_224, %and3A_238 : vector<16xi32>
            %add3A_240 = arith.addi %add3A_236, %and3A_239 : vector<16xi32>
            %broadcast_in_dim3A = arith.constant 0.000000e+00 : f32
            %broadcast_in_dim3A_241 = vector.broadcast %broadcast_in_dim3A : f32 to vector<16xf32>
            tpu.vector_store_idx %arg5[%add3A_240], %broadcast_in_dim3A_241 masked %eq3A_220 : memref<8192xf32, #tpu.memory_space<vmem>>[vector<16xi32>], vector<16xf32>, vector<16xi1>
            %scan3A_242 = arith.constant 0 : i32
            scf.yield %scan3A_242 : i32
          }
          %scan3A_210 = arith.constant 64 : i32
        } else {
        }
        %jit3A_110 = arith.constant 125 : i32
        %div3A = arith.divsi %add3A_62, %jit3A_110 : i32
        %sign3A = arith.constant 0 : i32
        %sign3A_111 = arith.cmpi sgt, %add3A_62, %sign3A : i32
        %sign3A_112 = arith.extui %sign3A_111 : i1 to i32
        %sign3A_113 = arith.constant 0 : i32
        %sign3A_114 = arith.cmpi slt, %add3A_62, %sign3A_113 : i32
        %sign3A_115 = arith.extui %sign3A_114 : i1 to i32
        %sign3A_116 = arith.subi %sign3A_112, %sign3A_115 : i32
        %sign3A_117 = arith.constant 0 : i32
        %sign3A_118 = arith.cmpi sgt, %jit3A_110, %sign3A_117 : i32
        %sign3A_119 = arith.extui %sign3A_118 : i1 to i32
        %sign3A_120 = arith.constant 0 : i32
        %sign3A_121 = arith.cmpi slt, %jit3A_110, %sign3A_120 : i32
        %sign3A_122 = arith.extui %sign3A_121 : i1 to i32
        %sign3A_123 = arith.subi %sign3A_119, %sign3A_122 : i32
        %ne3A_124 = arith.cmpi ne, %sign3A_116, %sign3A_123 : i32
        %rem3A_125 = arith.remsi %add3A_62, %jit3A_110 : i32
        %ne3A_126 = arith.constant 0 : i32
        %ne3A_127 = arith.cmpi ne, %rem3A_125, %ne3A_126 : i32
        %and3A_128 = arith.andi %ne3A_124, %ne3A_127 : i1
        %sub3A = arith.constant 1 : i32
        %sub3A_129 = arith.subi %div3A, %sub3A : i32
        %select_n3A_130 = arith.select %and3A_128, %sub3A_129, %div3A : i32
        %jit3A_131 = arith.constant 125 : i32
        %eq3A_132 = arith.constant 0 : i32
        %eq3A_133 = arith.cmpi eq, %jit3A_131, %eq3A_132 : i32
        %jit3A_134 = arith.constant 1 : i32
        %select_n3A_135 = arith.select %eq3A_133, %jit3A_134, %jit3A_131 : i32
        %rem3A_136 = arith.remsi %add3A_62, %select_n3A_135 : i32
        %ne3A_137 = arith.constant 0 : i32
        %ne3A_138 = arith.cmpi ne, %rem3A_136, %ne3A_137 : i32
        %lt3A_139 = arith.constant 0 : i32
        %lt3A_140 = arith.cmpi slt, %rem3A_136, %lt3A_139 : i32
        %lt3A_141 = arith.constant 0 : i32
        %lt3A_142 = arith.cmpi slt, %select_n3A_135, %lt3A_141 : i32
        %ne3A_143 = arith.xori %lt3A_140, %lt3A_142 : i1
        %and3A_144 = arith.andi %ne3A_143, %ne3A_138 : i1
        %add3A_145 = arith.addi %rem3A_136, %select_n3A_135 : i32
        %select_n3A_146 = arith.select %and3A_144, %add3A_145, %rem3A_136 : i32
        %scan3A_147 = arith.constant 0 : i32
        %scan3A_148 = arith.constant 0 : i32
        %scan3A_149 = arith.constant 64 : i32
        %scan3A_150 = arith.addi %scan3A_148, %scan3A_149 : i32
        %scan3A_151 = arith.constant 1 : i32
        %scan3A_152 = scf.for %scan3A_157 = %scan3A_148 to %scan3A_150 step %scan3A_151 iter_args(%scan3A_158 = %scan3A_147) -> (i32)  : i32 {
          %mul3A_159 = arith.constant 16 : i32
          %mul3A_160 = arith.muli %scan3A_157, %mul3A_159 : i32
          %get3A = arith.index_cast %select_n3A_130 : i32 to index
          %get3A_161 = arith.index_cast %mul3A_160 : i32 to index
          %get3A_162 = tpu.vector_load %arg4[%get3A, %get3A_161] {strides = array<i32>} : memref<20x1024xi32, #tpu.memory_space<vmem>>, vector<16xi32>,
          %shift_right_arithmetic3A = arith.constant 3 : i32
          %shift_right_arithmetic3A_163 = vector.broadcast %shift_right_arithmetic3A : i32 to vector<16xi32>
          %shift_right_arithmetic3A_164 = arith.shrsi %get3A_162, %shift_right_arithmetic3A_163 : vector<16xi32>
          %eq3A_165 = vector.broadcast %select_n3A_146 : i32 to vector<16xi32>
          %eq3A_166 = arith.cmpi eq, %shift_right_arithmetic3A_164, %eq3A_165 : vector<16xi32>
          %mul3A_167 = arith.constant 16 : i32
          %mul3A_168 = arith.muli %scan3A_157, %mul3A_167 : i32
          %iota3A = tpu.iota {dimensions = array<i32: 0>} : vector<16xi32>
          %add3A_169 = vector.broadcast %mul3A_168 : i32 to vector<16xi32>
          %add3A_170 = arith.addi %add3A_169, %iota3A : vector<16xi32>
          %shift_right_arithmetic3A_171 = arith.constant 7 : i32
          %shift_right_arithmetic3A_172 = vector.broadcast %shift_right_arithmetic3A_171 : i32 to vector<16xi32>
          %shift_right_arithmetic3A_173 = arith.shrsi %add3A_170, %shift_right_arithmetic3A_172 : vector<16xi32>
          %mul3A_174 = arith.constant 1024 : i32
          %mul3A_175 = vector.broadcast %mul3A_174 : i32 to vector<16xi32>
          %mul3A_176 = arith.muli %shift_right_arithmetic3A_173, %mul3A_175 : vector<16xi32>
          %and3A_177 = arith.constant 7 : i32
          %and3A_178 = vector.broadcast %and3A_177 : i32 to vector<16xi32>
          %and3A_179 = arith.andi %get3A_162, %and3A_178 : vector<16xi32>
          %shift_left3A = arith.constant 7 : i32
          %shift_left3A_180 = vector.broadcast %shift_left3A : i32 to vector<16xi32>
          %shift_left3A_181 = arith.shli %and3A_179, %shift_left3A_180 : vector<16xi32>
          %add3A_182 = arith.addi %mul3A_176, %shift_left3A_181 : vector<16xi32>
          %and3A_183 = arith.constant 127 : i32
          %and3A_184 = vector.broadcast %and3A_183 : i32 to vector<16xi32>
          %and3A_185 = arith.andi %add3A_170, %and3A_184 : vector<16xi32>
          %add3A_186 = arith.addi %add3A_182, %and3A_185 : vector<16xi32>
          %broadcast_in_dim3A = arith.constant 1.000000e+00 : f32
          %broadcast_in_dim3A_187 = vector.broadcast %broadcast_in_dim3A : f32 to vector<16xf32>
          tpu.vector_store_idx %arg5[%add3A_186], %broadcast_in_dim3A_187 masked %eq3A_166 : memref<8192xf32, #tpu.memory_space<vmem>>[vector<16xi32>], vector<16xf32>, vector<16xi1>
          %scan3A_188 = arith.constant 0 : i32
          scf.yield %scan3A_188 : i32
        }
        %scan3A_153 = arith.constant 64 : i32
        %mul3A_154 = arith.constant 8192 : i32
        %mul3A_155 = arith.muli %add3A_62, %mul3A_154 : i32
        %dma_start3A = tpu.memref_slice %arg3[%mul3A_155] : memref<20480000xf32, #tpu.memory_space<hbm>> -> memref<8192xf32, #tpu.memory_space<hbm>>
        %dma_start3A_156 = tpu.memref_slice %arg3[%mul3A_155] : memref<20480000xf32, #tpu.memory_space<hbm>> -> memref<8192xf32, #tpu.memory_space<hbm>>
        tpu.enqueue_dma source(%arg5 : memref<8192xf32, #tpu.memory_space<vmem>>) target(%dma_start3A_156 : memref<8192xf32, #tpu.memory_space<hbm>>) target_semaphore(%arg7 : memref<!tpu.dma_semaphore, #tpu.memory_space<semaphore_mem>>)
      } else {
      }
      %jit3A_84 = arith.constant 2 : i32
      %eq3A_85 = arith.constant 0 : i32
      %eq3A_86 = arith.cmpi eq, %jit3A_84, %eq3A_85 : i32
      %jit3A_87 = arith.constant 1 : i32
      %select_n3A_88 = arith.select %eq3A_86, %jit3A_87, %jit3A_84 : i32
      %rem3A_89 = arith.remsi %while3A_60, %select_n3A_88 : i32
      %ne3A_90 = arith.constant 0 : i32
      %ne3A_91 = arith.cmpi ne, %rem3A_89, %ne3A_90 : i32
      %lt3A_92 = arith.constant 0 : i32
      %lt3A_93 = arith.cmpi slt, %rem3A_89, %lt3A_92 : i32
      %lt3A_94 = arith.constant 0 : i32
      %lt3A_95 = arith.cmpi slt, %select_n3A_88, %lt3A_94 : i32
      %ne3A_96 = arith.xori %lt3A_93, %lt3A_95 : i1
      %and3A_97 = arith.andi %ne3A_96, %ne3A_91 : i1
      %add3A_98 = arith.addi %rem3A_89, %select_n3A_88 : i32
      %select_n3A_99 = arith.select %and3A_97, %add3A_98, %rem3A_89 : i32
      %eq3A_100 = arith.constant 1 : i32
      %eq3A_101 = arith.cmpi eq, %select_n3A_99, %eq3A_100 : i32
      %convert_element_type3A_102 = arith.extui %eq3A_101 : i1 to i32
      %cond3A_103 = arith.constant 0 : i32
      %cond3A_104 = arith.cmpi ne, %convert_element_type3A_102, %cond3A_103 : i32
      scf.if %cond3A_104 {
        %ge3A = arith.constant 2 : i32
        %ge3A_106 = arith.cmpi sge, %while3A_60, %ge3A : i32
        %convert_element_type3A_107 = arith.extui %ge3A_106 : i1 to i32
        %cond3A_108 = arith.constant 0 : i32
        %cond3A_109 = arith.cmpi ne, %convert_element_type3A_107, %cond3A_108 : i32
        scf.if %cond3A_109 {
          %sub3A_157 = arith.constant 2 : i32
          %sub3A_158 = arith.subi %add3A_62, %sub3A_157 : i32
          %mul3A_159 = arith.constant 8192 : i32
          %mul3A_160 = arith.muli %sub3A_158, %mul3A_159 : i32
          %dma_wait3A = tpu.memref_slice %arg3[%mul3A_160] : memref<20480000xf32, #tpu.memory_space<hbm>> -> memref<8192xf32, #tpu.memory_space<hbm>>
          %dma_wait3A_161 = tpu.memref_slice %arg3[%mul3A_160] : memref<20480000xf32, #tpu.memory_space<hbm>> -> memref<8192xf32, #tpu.memory_space<hbm>>
          tpu.wait_dma2 semaphore(%arg8 : memref<!tpu.dma_semaphore, #tpu.memory_space<semaphore_mem>>) src(%arg6 : memref<8192xf32, #tpu.memory_space<vmem>>) dst(%dma_wait3A_161 : memref<8192xf32, #tpu.memory_space<hbm>>)
          %sub3A_162 = arith.constant 2 : i32
          %sub3A_163 = arith.subi %add3A_62, %sub3A_162 : i32
          %jit3A_164 = arith.constant 125 : i32
          %div3A_165 = arith.divsi %sub3A_163, %jit3A_164 : i32
          %sign3A_166 = arith.constant 0 : i32
          %sign3A_167 = arith.cmpi sgt, %sub3A_163, %sign3A_166 : i32
          %sign3A_168 = arith.extui %sign3A_167 : i1 to i32
          %sign3A_169 = arith.constant 0 : i32
          %sign3A_170 = arith.cmpi slt, %sub3A_163, %sign3A_169 : i32
          %sign3A_171 = arith.extui %sign3A_170 : i1 to i32
          %sign3A_172 = arith.subi %sign3A_168, %sign3A_171 : i32
          %sign3A_173 = arith.constant 0 : i32
          %sign3A_174 = arith.cmpi sgt, %jit3A_164, %sign3A_173 : i32
          %sign3A_175 = arith.extui %sign3A_174 : i1 to i32
          %sign3A_176 = arith.constant 0 : i32
          %sign3A_177 = arith.cmpi slt, %jit3A_164, %sign3A_176 : i32
          %sign3A_178 = arith.extui %sign3A_177 : i1 to i32
          %sign3A_179 = arith.subi %sign3A_175, %sign3A_178 : i32
          %ne3A_180 = arith.cmpi ne, %sign3A_172, %sign3A_179 : i32
          %rem3A_181 = arith.remsi %sub3A_163, %jit3A_164 : i32
          %ne3A_182 = arith.constant 0 : i32
          %ne3A_183 = arith.cmpi ne, %rem3A_181, %ne3A_182 : i32
          %and3A_184 = arith.andi %ne3A_180, %ne3A_183 : i1
          %sub3A_185 = arith.constant 1 : i32
          %sub3A_186 = arith.subi %div3A_165, %sub3A_185 : i32
          %select_n3A_187 = arith.select %and3A_184, %sub3A_186, %div3A_165 : i32
          %jit3A_188 = arith.constant 125 : i32
          %eq3A_189 = arith.constant 0 : i32
          %eq3A_190 = arith.cmpi eq, %jit3A_188, %eq3A_189 : i32
          %jit3A_191 = arith.constant 1 : i32
          %select_n3A_192 = arith.select %eq3A_190, %jit3A_191, %jit3A_188 : i32
          %rem3A_193 = arith.remsi %sub3A_163, %select_n3A_192 : i32
          %ne3A_194 = arith.constant 0 : i32
          %ne3A_195 = arith.cmpi ne, %rem3A_193, %ne3A_194 : i32
          %lt3A_196 = arith.constant 0 : i32
          %lt3A_197 = arith.cmpi slt, %rem3A_193, %lt3A_196 : i32
          %lt3A_198 = arith.constant 0 : i32
          %lt3A_199 = arith.cmpi slt, %select_n3A_192, %lt3A_198 : i32
          %ne3A_200 = arith.xori %lt3A_197, %lt3A_199 : i1
          %and3A_201 = arith.andi %ne3A_200, %ne3A_195 : i1
          %add3A_202 = arith.addi %rem3A_193, %select_n3A_192 : i32
          %select_n3A_203 = arith.select %and3A_201, %add3A_202, %rem3A_193 : i32
          %scan3A_204 = arith.constant 0 : i32
          %scan3A_205 = arith.constant 0 : i32
          %scan3A_206 = arith.constant 64 : i32
          %scan3A_207 = arith.addi %scan3A_205, %scan3A_206 : i32
          %scan3A_208 = arith.constant 1 : i32
          %scan3A_209 = scf.for %scan3A_211 = %scan3A_205 to %scan3A_207 step %scan3A_208 iter_args(%scan3A_212 = %scan3A_204) -> (i32)  : i32 {
            %mul3A_213 = arith.constant 16 : i32
            %mul3A_214 = arith.muli %scan3A_211, %mul3A_213 : i32
            %get3A = arith.index_cast %select_n3A_187 : i32 to index
            %get3A_215 = arith.index_cast %mul3A_214 : i32 to index
            %get3A_216 = tpu.vector_load %arg4[%get3A, %get3A_215] {strides = array<i32>} : memref<20x1024xi32, #tpu.memory_space<vmem>>, vector<16xi32>,
            %shift_right_arithmetic3A = arith.constant 3 : i32
            %shift_right_arithmetic3A_217 = vector.broadcast %shift_right_arithmetic3A : i32 to vector<16xi32>
            %shift_right_arithmetic3A_218 = arith.shrsi %get3A_216, %shift_right_arithmetic3A_217 : vector<16xi32>
            %eq3A_219 = vector.broadcast %select_n3A_203 : i32 to vector<16xi32>
            %eq3A_220 = arith.cmpi eq, %shift_right_arithmetic3A_218, %eq3A_219 : vector<16xi32>
            %mul3A_221 = arith.constant 16 : i32
            %mul3A_222 = arith.muli %scan3A_211, %mul3A_221 : i32
            %iota3A = tpu.iota {dimensions = array<i32: 0>} : vector<16xi32>
            %add3A_223 = vector.broadcast %mul3A_222 : i32 to vector<16xi32>
            %add3A_224 = arith.addi %add3A_223, %iota3A : vector<16xi32>
            %shift_right_arithmetic3A_225 = arith.constant 7 : i32
            %shift_right_arithmetic3A_226 = vector.broadcast %shift_right_arithmetic3A_225 : i32 to vector<16xi32>
            %shift_right_arithmetic3A_227 = arith.shrsi %add3A_224, %shift_right_arithmetic3A_226 : vector<16xi32>
            %mul3A_228 = arith.constant 1024 : i32
            %mul3A_229 = vector.broadcast %mul3A_228 : i32 to vector<16xi32>
            %mul3A_230 = arith.muli %shift_right_arithmetic3A_227, %mul3A_229 : vector<16xi32>
            %and3A_231 = arith.constant 7 : i32
            %and3A_232 = vector.broadcast %and3A_231 : i32 to vector<16xi32>
            %and3A_233 = arith.andi %get3A_216, %and3A_232 : vector<16xi32>
            %shift_left3A = arith.constant 7 : i32
            %shift_left3A_234 = vector.broadcast %shift_left3A : i32 to vector<16xi32>
            %shift_left3A_235 = arith.shli %and3A_233, %shift_left3A_234 : vector<16xi32>
            %add3A_236 = arith.addi %mul3A_230, %shift_left3A_235 : vector<16xi32>
            %and3A_237 = arith.constant 127 : i32
            %and3A_238 = vector.broadcast %and3A_237 : i32 to vector<16xi32>
            %and3A_239 = arith.andi %add3A_224, %and3A_238 : vector<16xi32>
            %add3A_240 = arith.addi %add3A_236, %and3A_239 : vector<16xi32>
            %broadcast_in_dim3A = arith.constant 0.000000e+00 : f32
            %broadcast_in_dim3A_241 = vector.broadcast %broadcast_in_dim3A : f32 to vector<16xf32>
            tpu.vector_store_idx %arg6[%add3A_240], %broadcast_in_dim3A_241 masked %eq3A_220 : memref<8192xf32, #tpu.memory_space<vmem>>[vector<16xi32>], vector<16xf32>, vector<16xi1>
            %scan3A_242 = arith.constant 0 : i32
            scf.yield %scan3A_242 : i32
          }
          %scan3A_210 = arith.constant 64 : i32
        } else {
        }
        %jit3A_110 = arith.constant 125 : i32
        %div3A = arith.divsi %add3A_62, %jit3A_110 : i32
        %sign3A = arith.constant 0 : i32
        %sign3A_111 = arith.cmpi sgt, %add3A_62, %sign3A : i32
        %sign3A_112 = arith.extui %sign3A_111 : i1 to i32
        %sign3A_113 = arith.constant 0 : i32
        %sign3A_114 = arith.cmpi slt, %add3A_62, %sign3A_113 : i32
        %sign3A_115 = arith.extui %sign3A_114 : i1 to i32
        %sign3A_116 = arith.subi %sign3A_112, %sign3A_115 : i32
        %sign3A_117 = arith.constant 0 : i32
        %sign3A_118 = arith.cmpi sgt, %jit3A_110, %sign3A_117 : i32
        %sign3A_119 = arith.extui %sign3A_118 : i1 to i32
        %sign3A_120 = arith.constant 0 : i32
        %sign3A_121 = arith.cmpi slt, %jit3A_110, %sign3A_120 : i32
        %sign3A_122 = arith.extui %sign3A_121 : i1 to i32
        %sign3A_123 = arith.subi %sign3A_119, %sign3A_122 : i32
        %ne3A_124 = arith.cmpi ne, %sign3A_116, %sign3A_123 : i32
        %rem3A_125 = arith.remsi %add3A_62, %jit3A_110 : i32
        %ne3A_126 = arith.constant 0 : i32
        %ne3A_127 = arith.cmpi ne, %rem3A_125, %ne3A_126 : i32
        %and3A_128 = arith.andi %ne3A_124, %ne3A_127 : i1
        %sub3A = arith.constant 1 : i32
        %sub3A_129 = arith.subi %div3A, %sub3A : i32
        %select_n3A_130 = arith.select %and3A_128, %sub3A_129, %div3A : i32
        %jit3A_131 = arith.constant 125 : i32
        %eq3A_132 = arith.constant 0 : i32
        %eq3A_133 = arith.cmpi eq, %jit3A_131, %eq3A_132 : i32
        %jit3A_134 = arith.constant 1 : i32
        %select_n3A_135 = arith.select %eq3A_133, %jit3A_134, %jit3A_131 : i32
        %rem3A_136 = arith.remsi %add3A_62, %select_n3A_135 : i32
        %ne3A_137 = arith.constant 0 : i32
        %ne3A_138 = arith.cmpi ne, %rem3A_136, %ne3A_137 : i32
        %lt3A_139 = arith.constant 0 : i32
        %lt3A_140 = arith.cmpi slt, %rem3A_136, %lt3A_139 : i32
        %lt3A_141 = arith.constant 0 : i32
        %lt3A_142 = arith.cmpi slt, %select_n3A_135, %lt3A_141 : i32
        %ne3A_143 = arith.xori %lt3A_140, %lt3A_142 : i1
        %and3A_144 = arith.andi %ne3A_143, %ne3A_138 : i1
        %add3A_145 = arith.addi %rem3A_136, %select_n3A_135 : i32
        %select_n3A_146 = arith.select %and3A_144, %add3A_145, %rem3A_136 : i32
        %scan3A_147 = arith.constant 0 : i32
        %scan3A_148 = arith.constant 0 : i32
        %scan3A_149 = arith.constant 64 : i32
        %scan3A_150 = arith.addi %scan3A_148, %scan3A_149 : i32
        %scan3A_151 = arith.constant 1 : i32
        %scan3A_152 = scf.for %scan3A_157 = %scan3A_148 to %scan3A_150 step %scan3A_151 iter_args(%scan3A_158 = %scan3A_147) -> (i32)  : i32 {
          %mul3A_159 = arith.constant 16 : i32
          %mul3A_160 = arith.muli %scan3A_157, %mul3A_159 : i32
          %get3A = arith.index_cast %select_n3A_130 : i32 to index
          %get3A_161 = arith.index_cast %mul3A_160 : i32 to index
          %get3A_162 = tpu.vector_load %arg4[%get3A, %get3A_161] {strides = array<i32>} : memref<20x1024xi32, #tpu.memory_space<vmem>>, vector<16xi32>,
          %shift_right_arithmetic3A = arith.constant 3 : i32
          %shift_right_arithmetic3A_163 = vector.broadcast %shift_right_arithmetic3A : i32 to vector<16xi32>
          %shift_right_arithmetic3A_164 = arith.shrsi %get3A_162, %shift_right_arithmetic3A_163 : vector<16xi32>
          %eq3A_165 = vector.broadcast %select_n3A_146 : i32 to vector<16xi32>
          %eq3A_166 = arith.cmpi eq, %shift_right_arithmetic3A_164, %eq3A_165 : vector<16xi32>
          %mul3A_167 = arith.constant 16 : i32
          %mul3A_168 = arith.muli %scan3A_157, %mul3A_167 : i32
          %iota3A = tpu.iota {dimensions = array<i32: 0>} : vector<16xi32>
          %add3A_169 = vector.broadcast %mul3A_168 : i32 to vector<16xi32>
          %add3A_170 = arith.addi %add3A_169, %iota3A : vector<16xi32>
          %shift_right_arithmetic3A_171 = arith.constant 7 : i32
          %shift_right_arithmetic3A_172 = vector.broadcast %shift_right_arithmetic3A_171 : i32 to vector<16xi32>
          %shift_right_arithmetic3A_173 = arith.shrsi %add3A_170, %shift_right_arithmetic3A_172 : vector<16xi32>
          %mul3A_174 = arith.constant 1024 : i32
          %mul3A_175 = vector.broadcast %mul3A_174 : i32 to vector<16xi32>
          %mul3A_176 = arith.muli %shift_right_arithmetic3A_173, %mul3A_175 : vector<16xi32>
          %and3A_177 = arith.constant 7 : i32
          %and3A_178 = vector.broadcast %and3A_177 : i32 to vector<16xi32>
          %and3A_179 = arith.andi %get3A_162, %and3A_178 : vector<16xi32>
          %shift_left3A = arith.constant 7 : i32
          %shift_left3A_180 = vector.broadcast %shift_left3A : i32 to vector<16xi32>
          %shift_left3A_181 = arith.shli %and3A_179, %shift_left3A_180 : vector<16xi32>
          %add3A_182 = arith.addi %mul3A_176, %shift_left3A_181 : vector<16xi32>
          %and3A_183 = arith.constant 127 : i32
          %and3A_184 = vector.broadcast %and3A_183 : i32 to vector<16xi32>
          %and3A_185 = arith.andi %add3A_170, %and3A_184 : vector<16xi32>
          %add3A_186 = arith.addi %add3A_182, %and3A_185 : vector<16xi32>
          %broadcast_in_dim3A = arith.constant 1.000000e+00 : f32
          %broadcast_in_dim3A_187 = vector.broadcast %broadcast_in_dim3A : f32 to vector<16xf32>
          tpu.vector_store_idx %arg6[%add3A_186], %broadcast_in_dim3A_187 masked %eq3A_166 : memref<8192xf32, #tpu.memory_space<vmem>>[vector<16xi32>], vector<16xf32>, vector<16xi1>
          %scan3A_188 = arith.constant 0 : i32
          scf.yield %scan3A_188 : i32
        }
        %scan3A_153 = arith.constant 64 : i32
        %mul3A_154 = arith.constant 8192 : i32
        %mul3A_155 = arith.muli %add3A_62, %mul3A_154 : i32
        %dma_start3A = tpu.memref_slice %arg3[%mul3A_155] : memref<20480000xf32, #tpu.memory_space<hbm>> -> memref<8192xf32, #tpu.memory_space<hbm>>
        %dma_start3A_156 = tpu.memref_slice %arg3[%mul3A_155] : memref<20480000xf32, #tpu.memory_space<hbm>> -> memref<8192xf32, #tpu.memory_space<hbm>>
        tpu.enqueue_dma source(%arg6 : memref<8192xf32, #tpu.memory_space<vmem>>) target(%dma_start3A_156 : memref<8192xf32, #tpu.memory_space<hbm>>) target_semaphore(%arg8 : memref<!tpu.dma_semaphore, #tpu.memory_space<semaphore_mem>>)
      } else {
      }
      %while3A_105 = arith.constant 0 : i32
      scf.yield %while3A_105 : i32
    }
    %jit3A = arith.constant 2 : i32
    %eq3A = arith.constant 0 : i32
    %eq3A_25 = arith.cmpi eq, %jit3A, %eq3A : i32
    %jit3A_26 = arith.constant 1 : i32
    %select_n3A = arith.select %eq3A_25, %jit3A_26, %jit3A : i32
    %rem3A = arith.remsi %add3A_7, %select_n3A : i32
    %ne3A = arith.constant 0 : i32
    %ne3A_27 = arith.cmpi ne, %rem3A, %ne3A : i32
    %lt3A_28 = arith.constant 0 : i32
    %lt3A_29 = arith.cmpi slt, %rem3A, %lt3A_28 : i32
    %lt3A_30 = arith.constant 0 : i32
    %lt3A_31 = arith.cmpi slt, %select_n3A, %lt3A_30 : i32
    %ne3A_32 = arith.xori %lt3A_29, %lt3A_31 : i1
    %and3A = arith.andi %ne3A_32, %ne3A_27 : i1
    %add3A_33 = arith.addi %rem3A, %select_n3A : i32
    %select_n3A_34 = arith.select %and3A, %add3A_33, %rem3A : i32
    %eq3A_35 = arith.constant 0 : i32
    %eq3A_36 = arith.cmpi eq, %select_n3A_34, %eq3A_35 : i32
    %convert_element_type3A_37 = arith.extui %eq3A_36 : i1 to i32
    %cond3A = arith.constant 0 : i32
    %cond3A_38 = arith.cmpi ne, %convert_element_type3A_37, %cond3A : i32
    scf.if %cond3A_38 {
      %add3A_60 = arith.addi %add3A_4, %add3A_7 : i32
      %sub3A = arith.constant 2 : i32
      %sub3A_61 = arith.subi %add3A_60, %sub3A : i32
      %mul3A_62 = arith.constant 8192 : i32
      %mul3A_63 = arith.muli %sub3A_61, %mul3A_62 : i32
      %dma_wait3A = tpu.memref_slice %arg3[%mul3A_63] : memref<20480000xf32, #tpu.memory_space<hbm>> -> memref<8192xf32, #tpu.memory_space<hbm>>
      %dma_wait3A_64 = tpu.memref_slice %arg3[%mul3A_63] : memref<20480000xf32, #tpu.memory_space<hbm>> -> memref<8192xf32, #tpu.memory_space<hbm>>
      tpu.wait_dma2 semaphore(%arg7 : memref<!tpu.dma_semaphore, #tpu.memory_space<semaphore_mem>>) src(%arg5 : memref<8192xf32, #tpu.memory_space<vmem>>) dst(%dma_wait3A_64 : memref<8192xf32, #tpu.memory_space<hbm>>)
      %add3A_65 = arith.addi %add3A_4, %add3A_7 : i32
      %sub3A_66 = arith.constant 1 : i32
      %sub3A_67 = arith.subi %add3A_65, %sub3A_66 : i32
      %mul3A_68 = arith.constant 8192 : i32
      %mul3A_69 = arith.muli %sub3A_67, %mul3A_68 : i32
      %dma_wait3A_70 = tpu.memref_slice %arg3[%mul3A_69] : memref<20480000xf32, #tpu.memory_space<hbm>> -> memref<8192xf32, #tpu.memory_space<hbm>>
      %dma_wait3A_71 = tpu.memref_slice %arg3[%mul3A_69] : memref<20480000xf32, #tpu.memory_space<hbm>> -> memref<8192xf32, #tpu.memory_space<hbm>>
      tpu.wait_dma2 semaphore(%arg8 : memref<!tpu.dma_semaphore, #tpu.memory_space<semaphore_mem>>) src(%arg6 : memref<8192xf32, #tpu.memory_space<vmem>>) dst(%dma_wait3A_71 : memref<8192xf32, #tpu.memory_space<hbm>>)
    } else {
    }
    %jit3A_39 = arith.constant 2 : i32
    %eq3A_40 = arith.constant 0 : i32
    %eq3A_41 = arith.cmpi eq, %jit3A_39, %eq3A_40 : i32
    %jit3A_42 = arith.constant 1 : i32
    %select_n3A_43 = arith.select %eq3A_41, %jit3A_42, %jit3A_39 : i32
    %rem3A_44 = arith.remsi %add3A_7, %select_n3A_43 : i32
    %ne3A_45 = arith.constant 0 : i32
    %ne3A_46 = arith.cmpi ne, %rem3A_44, %ne3A_45 : i32
    %lt3A_47 = arith.constant 0 : i32
    %lt3A_48 = arith.cmpi slt, %rem3A_44, %lt3A_47 : i32
    %lt3A_49 = arith.constant 0 : i32
    %lt3A_50 = arith.cmpi slt, %select_n3A_43, %lt3A_49 : i32
    %ne3A_51 = arith.xori %lt3A_48, %lt3A_50 : i1
    %and3A_52 = arith.andi %ne3A_51, %ne3A_46 : i1
    %add3A_53 = arith.addi %rem3A_44, %select_n3A_43 : i32
    %select_n3A_54 = arith.select %and3A_52, %add3A_53, %rem3A_44 : i32
    %eq3A_55 = arith.constant 1 : i32
    %eq3A_56 = arith.cmpi eq, %select_n3A_54, %eq3A_55 : i32
    %convert_element_type3A_57 = arith.extui %eq3A_56 : i1 to i32
    %cond3A_58 = arith.constant 0 : i32
    %cond3A_59 = arith.cmpi ne, %convert_element_type3A_57, %cond3A_58 : i32
    scf.if %cond3A_59 {
      %add3A_60 = arith.addi %add3A_4, %add3A_7 : i32
      %sub3A = arith.constant 2 : i32
      %sub3A_61 = arith.subi %add3A_60, %sub3A : i32
      %mul3A_62 = arith.constant 8192 : i32
      %mul3A_63 = arith.muli %sub3A_61, %mul3A_62 : i32
      %dma_wait3A = tpu.memref_slice %arg3[%mul3A_63] : memref<20480000xf32, #tpu.memory_space<hbm>> -> memref<8192xf32, #tpu.memory_space<hbm>>
      %dma_wait3A_64 = tpu.memref_slice %arg3[%mul3A_63] : memref<20480000xf32, #tpu.memory_space<hbm>> -> memref<8192xf32, #tpu.memory_space<hbm>>
      tpu.wait_dma2 semaphore(%arg8 : memref<!tpu.dma_semaphore, #tpu.memory_space<semaphore_mem>>) src(%arg6 : memref<8192xf32, #tpu.memory_space<vmem>>) dst(%dma_wait3A_64 : memref<8192xf32, #tpu.memory_space<hbm>>)
      %add3A_65 = arith.addi %add3A_4, %add3A_7 : i32
      %sub3A_66 = arith.constant 1 : i32
      %sub3A_67 = arith.subi %add3A_65, %sub3A_66 : i32
      %mul3A_68 = arith.constant 8192 : i32
      %mul3A_69 = arith.muli %sub3A_67, %mul3A_68 : i32
      %dma_wait3A_70 = tpu.memref_slice %arg3[%mul3A_69] : memref<20480000xf32, #tpu.memory_space<hbm>> -> memref<8192xf32, #tpu.memory_space<hbm>>
      %dma_wait3A_71 = tpu.memref_slice %arg3[%mul3A_69] : memref<20480000xf32, #tpu.memory_space<hbm>> -> memref<8192xf32, #tpu.memory_space<hbm>>
      tpu.wait_dma2 semaphore(%arg7 : memref<!tpu.dma_semaphore, #tpu.memory_space<semaphore_mem>>) src(%arg5 : memref<8192xf32, #tpu.memory_space<vmem>>) dst(%dma_wait3A_71 : memref<8192xf32, #tpu.memory_space<hbm>>)
    } else {
    }
    return
  }
}

</mosaic_0001>

<sc_bundles>
// kernel: kernel.3.cloned.1.call-start
scs
__scs_entry_jumppad:
0x0: {  	(pc) =	sbr.rel $0x88, $3  }
0x1: {  	(tag) =	ssettag $0x0;
	lr =	simm.s32 $0x1  }
0x2: {  	[smem:$0x3FA0] =	sst lr;
	_ =	strace $0xD0000000  }
0x3: {  	_ = 	snop  }
0x4: {  	_ = 	snop  }
0x5: {  	_ = 	snop  }
0x6: {  	_ = 	snop  }
0x7: {  	_ = 	snop  }
__scs_overlays_trampoline_lowered:
0x8: {  	[smem:$0x3FAF] =	sst s0  }
0x9: {  	[smem:$0x3FB0] =	sst s1  }
0xa: {  	[smem:$0x3FB1] =	sst s2  }
0xb: {  	[smem:$0x3FB2] =	sst s3  }
0xc: {  	[smem:$0x3FB3] =	sst s4  }
0xd: {  	[smem:$0x3FB4] =	sst s5  }
0xe: {  	[smem:$0x3FB5] =	sst s6  }
0xf: {  	[smem:$0x3FB6] =	sst s7  }
0x10: {  	[smem:$0x3FB7] =	sst s8  }
0x11: {  	[smem:$0x3FB8] =	sst s9;
	s0 =	simm.s32 @!p0 $0x0  }
0x12: {  	s1 =	sld [smem:$0x3F9E];
	s0 =	simm.s32 @p0 $0x1  }
0x13: {  	[smem:$0x3FB9] =	sst s0;
	s0 =	simm.s32 @!p1 $0x0  }
0x14: {  	s2 =	sld [smem:$0x3F9D];
	s0 =	simm.s32 @p1 $0x1  }
0x15: {  	[smem:$0x3FBA] =	sst s0;
	s0 =	simm.s32 @!p2 $0x0  }
0x16: {  	s3 =	sld [smem:$0x3FDB];
	s0 =	simm.s32 @p2 $0x1  }
0x17: {  	s4 =	simm.s32 $0x1BF5;
	[smem:$0x3FBC] =	sst s0  }
0x18: {  	s0 =	sld [smem:$0x3F9F];
	_ =	swait.ge [sflag:s4], $0x0  }
0x19: {  	s7 =	sld [smem:$0x3FA0]  }
0x1a: {  	s8 =	sadd.s32 $0xFFFFE003, lr  }
0x1b: {  	s9 =	sadd.s32 $0xFFFFFEF7, lr;
	s5 =	simm.s32 $0xFFFFFFFF;
	p2 =	slt.u32 s8, $0xFFFFF086  }
0x1c: {  	p1 =	slt.u32 s9, $0xF7A;
	s5 =	simm.s32 @!p2 $0x0  }
0x1d: {  	s5 =	simm.s32 @p1 $0x1;
	p0 =	seq.s32 s7, s2  }
0x1e: {  	s7 =	smul.u32 @!p0 $0xF7A, s2;
	p2 =	seq.s32 @!p0 s5, $0x0  }
0x1f: {  	s9 =	smul.u32 $0xF7A, s1;
	s8 =	simm.s32 @!p0 $0x1BF5;
	p2 =	por !p2, p0  }
0x20: {  	[sflag:s8] =	ssyncset.s32 @!p0 $0xFFFFF086;
	s6 =	sadd.s32 @!p0 s3, s7;
	s7 =	simm.s32 @!p0 $0x108  }
0x21: {  	s3 =	sadd.s32 s3, s9;
	s6 =	sadd.s32 @!p0 $0x88, s6;
	s7 =	simm.s32 @p2 $0x1082  }
0x22: {  	[simem:s7], [sflag:s8] =	dma.local @!p0 [hbm:s6], $0xF7A  }
0x23: {  	s9 =	sor.u32 $0xD0000000, s2;
	s6 =	simm.s32 $0x108;
	_ =	swait.ge @!p0 [sflag:s8], $0x0  }
0x24: {  	s3 =	sadd.s32 $0x88, s3;
	s6 =	simm.s32 @!p1 $0x1082;
	[sflag:s4] =	ssyncset.s32 $0xFFFFF086  }
0x25: {  	[simem:s6], [sflag:s4] =	dma.local [hbm:s3], $0xF7A  }
0x26: {  	[smem:$0x3FA0] =	sst s1;
	(tag) =	ssettag s2;
	_ =	strace s9  }
0x27: {  	s1 =	sld [smem:$0x3FB0]  }
0x28: {  	s2 =	sld [smem:$0x3FB1]  }
0x29: {  	s4 =	sld [smem:$0x3FB3]  }
0x2a: {  	p0 =	seq.s32 s5, $0x0;
	s5 =	sld [smem:$0x3FB4]  }
0x2b: {  	s6 =	sld [smem:$0x3FB5]  }
0x2c: {  	s7 =	sld [smem:$0x3FB6]  }
0x2d: {  	s3 =	simm.s32 $0x108;
	s8 =	sld [smem:$0x3FB7]  }
0x2e: {  	s3 =	simm.s32 @!p0 $0x1082;
	s9 =	sld [smem:$0x3FB8]  }
0x2f: {  	lr =	sadd.s32 s0, s3;
	s0 =	sld [smem:$0x3FAF]  }
0x30: {  	s3 =	sld [smem:$0x3FB2]  }
0x31: {  	[smem:$0x3FBB] =	sst s10  }
0x32: {  	s10 =	sld [smem:$0x3FB9];
	_ =	sdelay $0x3  }
0x33: {  	p0 =	seq.s32 s10, $0x1;
	s10 =	sld [smem:$0x3FBB];
	_ =	sdelay $0x3  }
0x34: {  	[smem:$0x3FBB] =	sst s10  }
0x35: {  	s10 =	sld [smem:$0x3FBA];
	_ =	sdelay $0x3  }
0x36: {  	p1 =	seq.s32 s10, $0x1;
	s10 =	sld [smem:$0x3FBB];
	_ =	sdelay $0x3  }
0x37: {  	[smem:$0x3FBB] =	sst s10  }
0x38: {  	s10 =	sld [smem:$0x3FBC]  }
0x39: {  	_ = 	snop;
	(pc) =	sbr.ind lr, $3  }
0x3a: {  	_ = 	snop  }
0x3b: {  	_ = 	snop  }
0x3c: {  	p2 =	seq.s32 s10, $0x1;
	s10 =	sld [smem:$0x3FBB]  }
0x3d: {  	_ =	shalt  }
0x3e: {  	_ =	shalt  }
0x3f: {  	_ =	shalt  }
0x40: {  	_ =	shalt  }
0x41: {  	_ =	shalt  }
0x42: {  	_ =	shalt  }
0x43: {  	_ =	shalt  }
0x44: {  	_ =	shalt  }
0x45: {  	_ =	shalt  }
0x46: {  	_ =	shalt  }
0x47: {  	_ =	shalt  }
0x48: {  	_ =	shalt  }
0x49: {  	_ =	shalt  }
0x4a: {  	_ =	shalt  }
0x4b: {  	_ =	shalt  }
0x4c: {  	_ =	shalt  }
0x4d: {  	_ =	shalt  }
0x4e: {  	_ =	shalt  }
0x4f: {  	_ =	shalt  }
0x50: {  	_ =	shalt  }
0x51: {  	_ =	shalt  }
0x52: {  	_ =	shalt  }
0x53: {  	_ =	shalt  }
0x54: {  	_ =	shalt  }
0x55: {  	_ =	shalt  }
0x56: {  	_ =	shalt  }
0x57: {  	_ =	shalt  }
0x58: {  	_ =	shalt  }
0x59: {  	_ =	shalt  }
0x5a: {  	_ =	shalt  }
0x5b: {  	_ =	shalt  }
0x5c: {  	_ =	shalt  }
0x5d: {  	_ =	shalt  }
0x5e: {  	_ =	shalt  }
0x5f: {  	_ =	shalt  }
0x60: {  	_ =	shalt  }
0x61: {  	_ =	shalt  }
0x62: {  	_ =	shalt  }
0x63: {  	_ =	shalt  }
0x64: {  	_ =	shalt  }
0x65: {  	_ =	shalt  }
0x66: {  	_ =	shalt  }
0x67: {  	_ =	shalt  }
0x68: {  	_ =	shalt  }
0x69: {  	_ =	shalt  }
0x6a: {  	_ =	shalt  }
0x6b: {  	_ =	shalt  }
0x6c: {  	_ =	shalt  }
0x6d: {  	_ =	shalt  }
0x6e: {  	_ =	shalt  }
0x6f: {  	_ =	shalt  }
0x70: {  	_ =	shalt  }
0x71: {  	_ =	shalt  }
0x72: {  	_ =	shalt  }
0x73: {  	_ =	shalt  }
0x74: {  	_ =	shalt  }
0x75: {  	_ =	shalt  }
0x76: {  	_ =	shalt  }
0x77: {  	_ =	shalt  }
0x78: {  	_ =	shalt  }
0x79: {  	_ =	shalt  }
0x7a: {  	_ =	shalt  }
0x7b: {  	_ =	shalt  }
0x7c: {  	_ =	shalt  }
0x7d: {  	_ =	shalt  }
0x7e: {  	_ =	shalt  }
0x7f: {  	_ =	shalt  }
0x80: {  	_ =	shalt  }
0x81: {  	_ =	shalt  }
0x82: {  	_ =	shalt  }
0x83: {  	_ =	shalt  }
0x84: {  	_ =	shalt  }
0x85: {  	_ =	shalt  }
0x86: {  	_ =	shalt  }
0x87: {  	_ =	shalt  }
.Lfunc_end0:
.L_simem_size_0:
called_computation_lowered:
.L_overlay_start_0:
0x88: {  	s2 =	sld [smem:$0x3FD9]  }
0x89: {  	s3 =	sld [smem:$0x3FFE];
	_ =	sdelay $0x1  }
0x8a: {  	s1 =	srdreg.scid  }
0x8b: {  	s0 =	sand.u32 $0x1, s1  }
0x8c: {  	s18 =	sshll.u32 s0, $0xA;
	s2 =	sadd.s32 s3, s2  }
0x8d: {  	s2 =	sadd.s32 s2, s18  }
0x8e: {  	[smem:$0x3FC7] =	sst s2  }
0x8f: {  	_ = 	snop  }
0x90: {  	s2 =	sld [smem:$0x3FC9]  }
0x91: {  	s19 =	sld [smem:$0x3FD0];
	(tm) =	ssettm $0x1  }
0x92: {  	s4 =	sld [smem:$0x3FFB];
	_ =	sdelay $0x3  }
0x93: {  	_ =	strace s4  }
0x94: {  	s4 =	sld [smem:$0x3FFC];
	_ =	sdelay $0x3  }
0x95: {  	_ =	strace s4  }
0x96: {  	s4 =	sld [smem:$0x3FFD];
	_ =	sdelay $0x3  }
0x97: {  	_ =	strace s4  }
0x98: {  	_ =	strace $0x8FFFFFFF  }
0x99: {  	s20 =	sld [smem:$0x3FDB];
	_ =	sdelay $0x1  }
0x9a: {  	s5 =	simm.s32 $_scs_section_size  }
0x9b: {  	s6 =	simm.s32 $_size__tile_overlayer_lowered;
	s7 =	simm.s32 $_tile_overlayer_lowered  }
0x9c: {  	s23 =	simm.s32 $0x1BFF;
	s22 =	sshll.u32 s7, $0x1;
	s4 =	sadd.s32 s5, s20  }
0x9d: {  	s8 =	simm.s32 $0x0;
	s21 =	sshll.u32 s6, $0x1;
	s6 =	sadd.s32 s22, s4  }
0x9e: {  	[timem:s8], [sflag:s23] =	dma.local [hbm:s6], s21  }
0x9f: {  	_ =	swait.ge [sflag:s23], s21  }
0xa0: {  	s5 =	ssub.s32 $0x0, s21;
	[sflag:s23] =	ssyncset.done $0x0  }
0xa1: {  	[sflag:s23] =	ssyncadd.s32 s5;
	_ =	sdelay $0x1  }
0xa2: {  	s24 =	simm.s32 $0x1B8B  }
0xa3: {  	_ =	swait.ge [sflag:s24], $0x1  }
0xa4: {  	[sflag:s24] =	ssyncset.done $0x0  }
0xa5: {  	s25 =	simm.s32 $0x1B8E;
	[sflag:s24] =	ssyncadd.s32 $0xFFFFFFFF  }
0xa6: {  	s26 =	simm.s32 $execute0_lowered;
	[smem:$0x3FD2] =	sst s25  }
0xa7: {  	s5 =	sshll.u32 s26, $0x1;
	_ =	strace $0x80000046;
	[dreg:$0x1] =	wrdreg $0xFFFFFFFF  }
0xa8: {  	s28 =	simm.s32 $_size_execute0_lowered;
	s4 =	sadd.s32 s4, s5;
	[dreg:$0x0] =	wrdreg $0x0  }
0xa9: {  	s5 =	sshll.u32 s28, $0x1;
	[dreg:$0x2] =	wrdreg s4  }
0xaa: {  	[dreg:$0x3] =	wrdreg s5  }
0xab: {  	[dreg:$0x4] =	wrdreg $0xC0  }
0xac: {  	_ =	task [dreg:s8], $0x5FFFF  }
0xad: {  	[dreg:$0x1] =	wrdreg $0xFFFFFFFF  }
0xae: {  	[dreg:$0x0] =	wrdreg $0x60  }
0xaf: {  	[dreg:$0x2] =	wrdreg s2  }
0xb0: {  	[dreg:$0x3] =	wrdreg s19  }
0xb1: {  	[dreg:$0x4] =	wrdreg $0x9  }
0xb2: {  	_ =	task.clear_ibuf [dreg:s8], $0x5FFFF;
	_ =	strace $0x90000046  }
0xb3: {  	s29 =	simm.s32 $0x9;
	_ =	strace $0x80000048  }
0xb4: {  	_ =	swait.ge [sflag:s29], $0x1  }
0xb5: {  	[sflag:s29] =	ssyncadd.s32 $0xFFFFFFFF  }
0xb6: {  	_ =	strace $0x90000048  }
0xb7: {  	_ =	sfence  }
0xb8: {  	s30 =	sld [smem:$0x0];
	_ =	sdelay $0x2  }
0xb9: {  	s31 =	sshll.u32 s1, $0xD;
	s1 =	sshrl.u32 s1, $0x2  }
0xba: {  	s3 =	sand.u32 $0x4000, s31;
	s1 =	sadd.s32 s1, s30  }
0xbb: {  	s0 =	sor.u32 s3, s0;
	s1 =	sshll.u32 s1, $0x11  }
0xbc: {  	s0 =	sor.u32 s1, s0  }
0xbd: {  	s0 =	sadd.s32 $0x8F2B, s0  }
0xbe: {  	[sflag:s0] =	ssyncadd.remote.s32 $0x1  }
0xbf: {  	_ =	sfence.sel $0xFFFF  }
0xc0: {  	[dreg:$0x0] =	wrdreg $0xFFFFFFFF;
	(pc) =	sbr.abs _section_cstart, $3  }
0xc1: {  	[dreg:$0x1] =	wrdreg $0xFFFFFFFF  }
0xc2: {  	_ =	task.clear_ibuf [dreg:s8], $0x2FFFF;
	_ =	strace $0x9FFFFFFF  }
0xc3: {  	(tm) =	ssettm $0x7FFFFFFF  }
tec
execute0_lowered:
.L_overlay_start_1:
0x0: {  	(tag) =	ssettag $0x1  }
0x1: {  	s1 =	rddreg [dreg:$0x0]  }
0x2: {  	s3 =	rddreg [dreg:$0x1]  }
0x3: {  	s0 =	rddreg [dreg:$0x2];
	s4 =	simm.s32 $0x0  }
0x4: {  	s5 =	srdreg.scid;
	s2 =	stileid.u32;
	s10 =	simm.s32 $0x1  }
0x5: {  	s11 =	simm.s32 $0x1;
	s12 =	simm.s32 $0x3;
	s13 =	simm.s32 $0x8000  }
0x6: {  	s14 =	simm.s32 $0x6000;
	s5 =	sand.u32 $0x1, s5;
	s6 =	sshll.u32 s2, $0x1  }
0x7: {  	s15 =	simm.s32 $0x0;
	[smem:$0x7FF] =	sst s4;
	s6 =	sor.u32 s5, s6  }
0x8: {  	p0 =	slt.u32 s2, $0x2;
	_ =	strace $0x80000047;
	s8 =	smul.u32 $0x4E, s6  }
.Ltmp0:
0x9: {  	s7 =	ssub.s32 $0x2, s5;
	s5 =	simm.s32 $0x4F;
	(pc) =	sbr.rel .LBB2_1-.Ltmp0, $4  }
0xa: {  	s9 =	sshrl.u32 s7, $0x1;
	s6 =	smin.u32 s6, $0x4;
	s5 =	simm.s32 @!p0 $0x4E  }
0xb: {  	s7 =	ssub.s32 s7, s9;
	s31 =	sand.u32 $0x1, s5;
	s9 =	simm.s32 $0x2  }
0xc: {  	s6 =	sadd.s32 s6, s8;
	p0 =	seq.s32 s31, $0x1;
	s8 =	simm.s32 $0x2  }
0xd: {  	v0 =	vimm.f32 $0.0e+00;
	v1 =	vlaneseq.u32;
	v2 =	vimm.f32 $1.000000000e+00;
	s7 =	smax.u32 s7, $0x1;
	s8 =	simm.s32 @!p0 $0x1;
	s10 =	simm.s32 @!p0 $0x2  }
.LBB2_20:
0xe: {  	s15 =	sadd.s32 $0x1, s15  }
0xf: {  	_ =	swait.ge [sflag:s8], $0x2000;
	p0 =	sne.s32 s15, s7  }
.Ltmp1:
0x10: {  	[sflag:s8] =	ssyncset.done $0x0;
	(pc) =	sbr.rel @!p0 .LBB2_21-.Ltmp1, $4  }
0x11: {  	[sflag:s8] =	ssyncadd.s32 $0xFFFFE000  }
0x12: {  	_ =	swait.ge [sflag:s10], $0x2000  }
0x13: {  	[sflag:s10] =	ssyncset.done $0x0  }
0x14: {  	[sflag:s10] =	ssyncadd.s32 $0xFFFFE000  }
.LBB2_1:
0x15: {  	[tilespmem:s4], [sflag:$0x3] =	stream.linear.gather [hbm4b:s1+s4], $0x6000, $0x38;
	[tilespmem:$0xA000] =	vst v63  }
0x16: {  	_ =	swait.ge [sflag:s12], $0x6000  }
0x17: {  	[sflag:s12] =	ssyncset.done $0x0  }
0x18: {  	s16 =	simm.s32 $0x0;
	[sflag:s12] =	ssyncadd.s32 $0xFFFFA000  }
.LBB2_2:
0x19: {  	p0 =	sne.s32 s16, $0x7FC0  }
.Ltmp2:
0x1a: {  	_ = 	snop;
	(pc) =	sbr.rel @p0 .LBB2_2-.Ltmp2, $4  }
0x1b: {  	_ = 	snop  }
0x1c: {  	s17 =	sshra.s32 s16, $0x2  }
0x1d: {  	[tilespmem:s17+$0x6000] =	vst v0  }
0x1e: {  	s16 =	sadd.s32 $0x40, s16;
	[tilespmem:s17+$0x8000] =	vst v0  }
.Ltmp3:
0x1f: {  	(pc) =	sbr.rel .LBB2_4-.Ltmp3, $2  }
0x20: {  	_ =	sdelay $0x2  }
0x21: {  	s16 =	simm.s32 $0x0  }
.LBB2_19:
0x22: {  	s16 =	sadd.s32 $0x1, s16  }
0x23: {  	p0 =	sne.s32 s16, s5  }
.Ltmp4:
0x24: {  	_ = 	snop;
	(pc) =	sbr.rel @!p0 .LBB2_20-.Ltmp4, $1  }
0x25: {  	_ =	sdelay $0x3  }
.LBB2_4:
0x26: {  	s18 =	sand.u32 $0x1, s16  }
0x27: {  	p0 =	seq.s32 s18, $0x1  }
.Ltmp5:
0x28: {  	_ = 	snop;
	(pc) =	sbr.rel @p0 .LBB2_12-.Ltmp5, $2  }
0x29: {  	_ =	sdelay $0x2  }
0x2a: {  	s17 =	sadd.s32 s16, s6  }
0x2b: {  	p0 =	slt.u32 s16, $0x2  }
.Ltmp6:
0x2c: {  	_ = 	snop;
	(pc) =	sbr.rel @p0 .LBB2_9-.Ltmp6, $1  }
0x2d: {  	_ =	sdelay $0x3  }
0x2e: {  	s19 =	sadd.s32 $0xFFFFFFFE, s17  }
0x2f: {  	s20 =	smulhi.u32 $0x10624DD3, s19;
	s21 =	sshra.s32 s19, $0x1F  }
0x30: {  	s21 =	smul.u32 $0x10624DD3, s21;
	_ =	sdelay $0x1  }
0x31: {  	s20 =	sadd.s32 s21, s20  }
0x32: {  	s21 =	sshrl.u32 s20, $0x1F;
	s20 =	sshra.s32 s20, $0x3  }
0x33: {  	s20 =	sadd.s32 s21, s20  }
0x34: {  	s21 =	smul.u32 $0xFFFFFF83, s20;
	_ =	sdelay $0x1  }
0x35: {  	s21 =	sadd.s32 s19, s21  }
0x36: {  	p0 =	slt.u32 s17, $0x3;
	p1 =	sne.s32 s21, $0x0  }
0x37: {  	p0 =	por !p0, !p1  }
0x38: {  	s19 =	simm.s32 $0x1;
	p0 =	por !p0, !p0  }
0x39: {  	s19 =	simm.s32 @!p0 $0x0  }
0x3a: {  	s19 =	ssub.s32 s20, s19  }
0x3b: {  	s20 =	sshll.u32 s19, $0xA;
	s19 =	sshll.u32 s19, $0x7  }
0x3c: {  	s22 =	simm.s32 $0x0;
	s20 =	sand.u32 $0xFFFFE000, s20;
	s19 =	sand.u32 $0x380, s19  }
0x3d: {  	_ =	swait.ge [sflag:s11], $0x2000;
	s31 =	sand.u32 $0x1C00, s22;
	s19 =	sor.u32 s19, s20  }
0x3e: {  	[sflag:s11] =	ssyncset.done $0x0;
	s23 =	sand.u32 $0x70, s22;
	s20 =	sadd.s32 s31, s19  }
0x3f: {  	[sflag:s11] =	ssyncadd.s32 $0xFFFFE000;
	s20 =	sadd.s32 s23, s20  }
0x40: {  	v4 =	vld [tilespmem:s20+$0x0];
	_ =	sdelay $0x1  }
0x41: {  	v5 =	vmov s22  }
0x42: {  	v6 =	vor.u32 s22, v1;
	v5 =	vshll.u32 v5, $0x3;
	p0 =	slt.s32 s21, $0x0;
	s20 =	sadd.s32 $0x7D, s21  }
0x43: {  	v6 =	vand.u32 $0x7F, v6;
	v5 =	vand.u32 $0x1C00, v5;
	s21 =	smov.u32 @p0 s20  }
0x44: {  	v3 =	vmov s21;
	v7 =	vshll.u32 v4, $0x7;
	v4 =	vshra.s32 v4, $0x3  }
0x45: {  	v5 =	vor.u32 v5, v6;
	v7 =	vand.u32 $0x380, v7;
	vm0 =	veq.s32 v4, v3  }
0x46: {  	v4 =	vor.u32 v7, v5;
	_ =	sdelay $0x1  }
0x47: {  	s21 =	simm.s32 $0x80  }
0x48: {  	s22 =	simm.s32 $0x20;
	s20 =	simm.s32 $0x10;
	s23 =	sand.u32 $0x1C00, s21  }
.LBB2_7:
0x49: {  	p0 =	sne.s32 s22, $0x3F0;
	s24 =	sand.u32 $0x70, s20;
	s23 =	sadd.s32 s23, s19  }
0x4a: {  	s23 =	sadd.s32 s24, s23;
	[tilespmem:v4+s14+$0x0] =	vst.idx.msk vm0, v0  }
0x4b: {  	v4 =	vld [tilespmem:s23+$0x0];
	_ =	sdelay $0x2  }
0x4c: {  	v5 =	vmov s20;
	v6 =	vor.u32 s20, v1;
	s20 =	smov.u32 s22  }
0x4d: {  	v5 =	vshll.u32 v5, $0x3;
	v6 =	vand.u32 $0x7F, v6  }
0x4e: {  	v5 =	vand.u32 $0x1C00, v5;
	v7 =	vshra.s32 v4, $0x3;
	v4 =	vshll.u32 v4, $0x7  }
.Ltmp7:
0x4f: {  	v5 =	vor.u32 v5, v6;
	vm0 =	veq.s32 v7, v3;
	v4 =	vand.u32 $0x380, v4;
	(pc) =	sbr.rel @p0 .LBB2_7-.Ltmp7, $3  }
0x50: {  	v4 =	vor.u32 v4, v5;
	_ =	sdelay $0x1  }
0x51: {  	s21 =	sadd.s32 $0x80, s21  }
0x52: {  	s22 =	sadd.s32 $0x10, s22;
	s23 =	sand.u32 $0x1C00, s21  }
0x53: {  	_ =	sdelay $0x3  }
0x54: {  	s21 =	sand.u32 $0x70, s20;
	s19 =	sadd.s32 s23, s19  }
0x55: {  	[tilespmem:v4+s14+$0x0] =	vst.idx.msk vm0, v0;
	s19 =	sadd.s32 s21, s19  }
0x56: {  	v4 =	vld [tilespmem:s19+$0x0];
	_ =	sdelay $0x2  }
0x57: {  	v5 =	vmov s20;
	v6 =	vor.u32 s20, v1  }
0x58: {  	v5 =	vshll.u32 v5, $0x3;
	v6 =	vand.u32 $0x7F, v6  }
0x59: {  	v5 =	vand.u32 $0x1C00, v5;
	v7 =	vshra.s32 v4, $0x3;
	v4 =	vshll.u32 v4, $0x7  }
0x5a: {  	v63 =	vor.u32 v5, v6;
	vm15 =	veq.s32 v7, v3;
	v3 =	vand.u32 $0x380, v4  }
0x5b: {  	v3 =	vor.u32 v3, v63;
	_ =	sdelay $0x4  }
0x5c: {  	[tilespmem:v3+s14+$0x0] =	vst.idx.msk vm15, v0  }
.LBB2_9:
0x5d: {  	s20 =	smulhi.u32 $0x10624DD3, s17;
	_ =	sdelay $0x1  }
0x5e: {  	s19 =	sshll.u32 s20, $0x7;
	s21 =	sshll.u32 s20, $0x4  }
0x5f: {  	s22 =	simm.s32 $0x0;
	s19 =	sand.u32 $0xFFFFE000, s19;
	s21 =	sand.u32 $0x380, s21  }
0x60: {  	s31 =	sand.u32 $0x1C00, s22;
	s19 =	sor.u32 s21, s19  }
0x61: {  	s23 =	sand.u32 $0x70, s22;
	s21 =	sadd.s32 s31, s19  }
0x62: {  	s21 =	sadd.s32 s23, s21  }
0x63: {  	v4 =	vld [tilespmem:s21+$0x0]  }
0x64: {  	s20 =	sshrl.u32 s20, $0x3  }
0x65: {  	v5 =	vmov s22;
	s20 =	smul.u32 $0x7D, s20  }
0x66: {  	v6 =	vor.u32 s22, v1;
	v5 =	vshll.u32 v5, $0x3  }
0x67: {  	v6 =	vand.u32 $0x7F, v6;
	v5 =	vand.u32 $0x1C00, v5;
	s20 =	ssub.s32 s17, s20  }
0x68: {  	v3 =	vmov s20;
	v7 =	vshll.u32 v4, $0x7;
	v4 =	vshra.s32 v4, $0x3  }
0x69: {  	v5 =	vor.u32 v5, v6;
	v7 =	vand.u32 $0x380, v7;
	vm0 =	veq.s32 v4, v3  }
0x6a: {  	v4 =	vor.u32 v7, v5;
	_ =	sdelay $0x1  }
0x6b: {  	s21 =	simm.s32 $0x80  }
0x6c: {  	s22 =	simm.s32 $0x20;
	s20 =	simm.s32 $0x10;
	s23 =	sand.u32 $0x1C00, s21  }
.LBB2_10:
0x6d: {  	p0 =	sne.s32 s22, $0x3F0;
	s24 =	sand.u32 $0x70, s20;
	s23 =	sadd.s32 s23, s19  }
0x6e: {  	s23 =	sadd.s32 s24, s23;
	[tilespmem:v4+s14+$0x0] =	vst.idx.msk vm0, v2  }
0x6f: {  	v4 =	vld [tilespmem:s23+$0x0];
	_ =	sdelay $0x2  }
0x70: {  	v5 =	vmov s20;
	v6 =	vor.u32 s20, v1;
	s20 =	smov.u32 s22  }
0x71: {  	v5 =	vshll.u32 v5, $0x3;
	v6 =	vand.u32 $0x7F, v6  }
0x72: {  	v5 =	vand.u32 $0x1C00, v5;
	v7 =	vshra.s32 v4, $0x3;
	v4 =	vshll.u32 v4, $0x7  }
.Ltmp8:
0x73: {  	v5 =	vor.u32 v5, v6;
	vm0 =	veq.s32 v7, v3;
	v4 =	vand.u32 $0x380, v4;
	(pc) =	sbr.rel @p0 .LBB2_10-.Ltmp8, $3  }
0x74: {  	v4 =	vor.u32 v4, v5;
	_ =	sdelay $0x1  }
0x75: {  	s21 =	sadd.s32 $0x80, s21  }
0x76: {  	s22 =	sadd.s32 $0x10, s22;
	s23 =	sand.u32 $0x1C00, s21  }
0x77: {  	_ =	sdelay $0x3  }
0x78: {  	s21 =	sand.u32 $0x70, s20;
	s19 =	sadd.s32 s23, s19  }
0x79: {  	[tilespmem:v4+s14+$0x0] =	vst.idx.msk vm0, v2;
	s19 =	sadd.s32 s21, s19  }
0x7a: {  	v4 =	vld [tilespmem:s19+$0x0];
	_ =	sdelay $0x2  }
0x7b: {  	v5 =	vmov s20;
	v6 =	vor.u32 s20, v1  }
0x7c: {  	v5 =	vshll.u32 v5, $0x3;
	v6 =	vand.u32 $0x7F, v6  }
0x7d: {  	v5 =	vand.u32 $0x1C00, v5;
	v7 =	vshra.s32 v4, $0x3;
	v4 =	vshll.u32 v4, $0x7  }
0x7e: {  	v63 =	vor.u32 v5, v6;
	vm15 =	veq.s32 v7, v3;
	v3 =	vand.u32 $0x380, v4  }
0x7f: {  	v3 =	vor.u32 v3, v63  }
0x80: {  	p0 =	seq.s32 s18, $0x0  }
.Ltmp9:
0x81: {  	_ = 	snop;
	(pc) =	sbr.rel @p0 .LBB2_19-.Ltmp9, $4  }
0x82: {  	s31 =	sshll.u32 s17, $0xA  }
0x83: {  	s19 =	sand.u32 $0x1FFFFC00, s31  }
0x84: {  	s19 =	sadd.s32 s3, s19;
	[tilespmem:v3+s14+$0x0] =	vst.idx.msk vm15, v2  }
0x85: {  	[hbm4b:s19+s4] =	stream.linear.scatter [tilespmem:s14], [sflag:$0x1], $0x2000, $0x38;
	[tilespmem:$0xA000] =	vst v63  }
.LBB2_12:
0x86: {  	p0 =	slt.u32 s16, $0x2  }
.Ltmp10:
0x87: {  	_ = 	snop;
	(pc) =	sbr.rel @p0 .LBB2_16-.Ltmp10, $1  }
0x88: {  	_ =	sdelay $0x3  }
0x89: {  	s18 =	sadd.s32 $0xFFFFFFFE, s17  }
0x8a: {  	s19 =	smulhi.u32 $0x10624DD3, s18;
	s20 =	sshra.s32 s18, $0x1F  }
0x8b: {  	s20 =	smul.u32 $0x10624DD3, s20;
	_ =	sdelay $0x1  }
0x8c: {  	s19 =	sadd.s32 s20, s19  }
0x8d: {  	s20 =	sshrl.u32 s19, $0x1F;
	s19 =	sshra.s32 s19, $0x3  }
0x8e: {  	s19 =	sadd.s32 s20, s19  }
0x8f: {  	s20 =	smul.u32 $0xFFFFFF83, s19;
	_ =	sdelay $0x1  }
0x90: {  	s20 =	sadd.s32 s18, s20  }
0x91: {  	p0 =	slt.u32 s17, $0x3;
	p1 =	sne.s32 s20, $0x0  }
0x92: {  	p0 =	por !p0, !p1  }
0x93: {  	s18 =	simm.s32 $0x1;
	p0 =	por !p0, !p0  }
0x94: {  	s18 =	simm.s32 @!p0 $0x0  }
0x95: {  	s18 =	ssub.s32 s19, s18  }
0x96: {  	s19 =	sshll.u32 s18, $0xA;
	s18 =	sshll.u32 s18, $0x7  }
0x97: {  	s21 =	simm.s32 $0x0;
	s19 =	sand.u32 $0xFFFFE000, s19;
	s18 =	sand.u32 $0x380, s18  }
0x98: {  	_ =	swait.ge [sflag:s9], $0x2000;
	s31 =	sand.u32 $0x1C00, s21;
	s18 =	sor.u32 s18, s19  }
0x99: {  	[sflag:s9] =	ssyncset.done $0x0;
	s22 =	sand.u32 $0x70, s21;
	s19 =	sadd.s32 s31, s18  }
0x9a: {  	[sflag:s9] =	ssyncadd.s32 $0xFFFFE000;
	s19 =	sadd.s32 s22, s19  }
0x9b: {  	v4 =	vld [tilespmem:s19+$0x0];
	_ =	sdelay $0x1  }
0x9c: {  	v5 =	vmov s21  }
0x9d: {  	v6 =	vor.u32 s21, v1;
	v5 =	vshll.u32 v5, $0x3;
	p0 =	slt.s32 s20, $0x0;
	s19 =	sadd.s32 $0x7D, s20  }
0x9e: {  	v6 =	vand.u32 $0x7F, v6;
	v5 =	vand.u32 $0x1C00, v5;
	s20 =	smov.u32 @p0 s19  }
0x9f: {  	v3 =	vmov s20;
	v7 =	vshll.u32 v4, $0x7;
	v4 =	vshra.s32 v4, $0x3  }
0xa0: {  	v5 =	vor.u32 v5, v6;
	v7 =	vand.u32 $0x380, v7;
	vm0 =	veq.s32 v4, v3  }
0xa1: {  	v4 =	vor.u32 v7, v5;
	_ =	sdelay $0x1  }
0xa2: {  	s20 =	simm.s32 $0x80  }
0xa3: {  	s21 =	simm.s32 $0x20;
	s19 =	simm.s32 $0x10;
	s22 =	sand.u32 $0x1C00, s20  }
.LBB2_14:
0xa4: {  	p0 =	sne.s32 s21, $0x3F0;
	s23 =	sand.u32 $0x70, s19;
	s22 =	sadd.s32 s22, s18  }
0xa5: {  	s22 =	sadd.s32 s23, s22;
	[tilespmem:v4+s13+$0x0] =	vst.idx.msk vm0, v0  }
0xa6: {  	v4 =	vld [tilespmem:s22+$0x0];
	_ =	sdelay $0x2  }
0xa7: {  	v5 =	vmov s19;
	v6 =	vor.u32 s19, v1;
	s19 =	smov.u32 s21  }
0xa8: {  	v5 =	vshll.u32 v5, $0x3;
	v6 =	vand.u32 $0x7F, v6  }
0xa9: {  	v5 =	vand.u32 $0x1C00, v5;
	v7 =	vshra.s32 v4, $0x3;
	v4 =	vshll.u32 v4, $0x7  }
.Ltmp11:
0xaa: {  	v5 =	vor.u32 v5, v6;
	vm0 =	veq.s32 v7, v3;
	v4 =	vand.u32 $0x380, v4;
	(pc) =	sbr.rel @p0 .LBB2_14-.Ltmp11, $3  }
0xab: {  	v4 =	vor.u32 v4, v5;
	_ =	sdelay $0x1  }
0xac: {  	s20 =	sadd.s32 $0x80, s20  }
0xad: {  	s21 =	sadd.s32 $0x10, s21;
	s22 =	sand.u32 $0x1C00, s20  }
0xae: {  	_ =	sdelay $0x3  }
0xaf: {  	s20 =	sand.u32 $0x70, s19;
	s18 =	sadd.s32 s22, s18  }
0xb0: {  	[tilespmem:v4+s13+$0x0] =	vst.idx.msk vm0, v0;
	s18 =	sadd.s32 s20, s18  }
0xb1: {  	v4 =	vld [tilespmem:s18+$0x0];
	_ =	sdelay $0x2  }
0xb2: {  	v5 =	vmov s19;
	v6 =	vor.u32 s19, v1  }
0xb3: {  	v5 =	vshll.u32 v5, $0x3;
	v6 =	vand.u32 $0x7F, v6  }
0xb4: {  	v5 =	vand.u32 $0x1C00, v5;
	v7 =	vshra.s32 v4, $0x3;
	v4 =	vshll.u32 v4, $0x7  }
0xb5: {  	v63 =	vor.u32 v5, v6;
	vm15 =	veq.s32 v7, v3;
	v3 =	vand.u32 $0x380, v4  }
0xb6: {  	v3 =	vor.u32 v3, v63;
	_ =	sdelay $0x4  }
0xb7: {  	[tilespmem:v3+s13+$0x0] =	vst.idx.msk vm15, v0  }
.LBB2_16:
0xb8: {  	s19 =	smulhi.u32 $0x10624DD3, s17;
	_ =	sdelay $0x1  }
0xb9: {  	s18 =	sshll.u32 s19, $0x7;
	s20 =	sshll.u32 s19, $0x4  }
0xba: {  	s21 =	simm.s32 $0x0;
	s18 =	sand.u32 $0xFFFFE000, s18;
	s20 =	sand.u32 $0x380, s20  }
0xbb: {  	s31 =	sand.u32 $0x1C00, s21;
	s18 =	sor.u32 s20, s18  }
0xbc: {  	s22 =	sand.u32 $0x70, s21;
	s20 =	sadd.s32 s31, s18  }
0xbd: {  	s20 =	sadd.s32 s22, s20  }
0xbe: {  	v4 =	vld [tilespmem:s20+$0x0]  }
0xbf: {  	s19 =	sshrl.u32 s19, $0x3  }
0xc0: {  	v5 =	vmov s21;
	s19 =	smul.u32 $0x7D, s19  }
0xc1: {  	v6 =	vor.u32 s21, v1;
	v5 =	vshll.u32 v5, $0x3  }
0xc2: {  	v6 =	vand.u32 $0x7F, v6;
	v5 =	vand.u32 $0x1C00, v5;
	s19 =	ssub.s32 s17, s19  }
0xc3: {  	v3 =	vmov s19;
	v7 =	vshll.u32 v4, $0x7;
	v4 =	vshra.s32 v4, $0x3  }
0xc4: {  	v5 =	vor.u32 v5, v6;
	v7 =	vand.u32 $0x380, v7;
	vm0 =	veq.s32 v4, v3  }
0xc5: {  	v4 =	vor.u32 v7, v5;
	_ =	sdelay $0x1  }
0xc6: {  	s20 =	simm.s32 $0x80  }
0xc7: {  	s21 =	simm.s32 $0x20;
	s19 =	simm.s32 $0x10;
	s22 =	sand.u32 $0x1C00, s20  }
.LBB2_17:
0xc8: {  	p0 =	sne.s32 s21, $0x3F0;
	s23 =	sand.u32 $0x70, s19;
	s22 =	sadd.s32 s22, s18  }
0xc9: {  	s22 =	sadd.s32 s23, s22;
	[tilespmem:v4+s13+$0x0] =	vst.idx.msk vm0, v2  }
0xca: {  	v4 =	vld [tilespmem:s22+$0x0];
	_ =	sdelay $0x2  }
0xcb: {  	v5 =	vmov s19;
	v6 =	vor.u32 s19, v1;
	s19 =	smov.u32 s21  }
0xcc: {  	v5 =	vshll.u32 v5, $0x3;
	v6 =	vand.u32 $0x7F, v6  }
0xcd: {  	v5 =	vand.u32 $0x1C00, v5;
	v7 =	vshra.s32 v4, $0x3;
	v4 =	vshll.u32 v4, $0x7  }
.Ltmp12:
0xce: {  	v5 =	vor.u32 v5, v6;
	vm0 =	veq.s32 v7, v3;
	v4 =	vand.u32 $0x380, v4;
	(pc) =	sbr.rel @p0 .LBB2_17-.Ltmp12, $3  }
0xcf: {  	v4 =	vor.u32 v4, v5;
	_ =	sdelay $0x1  }
0xd0: {  	s20 =	sadd.s32 $0x80, s20  }
0xd1: {  	s21 =	sadd.s32 $0x10, s21;
	s22 =	sand.u32 $0x1C00, s20  }
0xd2: {  	_ =	sdelay $0x3  }
0xd3: {  	s20 =	sand.u32 $0x70, s19;
	s18 =	sadd.s32 s22, s18  }
0xd4: {  	[tilespmem:v4+s13+$0x0] =	vst.idx.msk vm0, v2;
	s18 =	sadd.s32 s20, s18  }
0xd5: {  	v4 =	vld [tilespmem:s18+$0x0];
	_ =	sdelay $0x2  }
0xd6: {  	v5 =	vmov s19;
	v6 =	vor.u32 s19, v1  }
0xd7: {  	v5 =	vshll.u32 v5, $0x3;
	v6 =	vand.u32 $0x7F, v6  }
0xd8: {  	v5 =	vand.u32 $0x1C00, v5;
	v7 =	vshra.s32 v4, $0x3;
	v4 =	vshll.u32 v4, $0x7  }
0xd9: {  	v63 =	vor.u32 v5, v6;
	vm15 =	veq.s32 v7, v3;
	v3 =	vand.u32 $0x380, v4  }
0xda: {  	v3 =	vor.u32 v3, v63;
	_ =	sdelay $0x1  }
.Ltmp13:
0xdb: {  	_ = 	snop;
	(pc) =	sbr.rel .LBB2_19-.Ltmp13, $4  }
0xdc: {  	s17 =	sshll.u32 s17, $0xA  }
0xdd: {  	s17 =	sand.u32 $0x1FFFFC00, s17  }
0xde: {  	s17 =	sadd.s32 s3, s17;
	[tilespmem:v3+s13+$0x0] =	vst.idx.msk vm15, v2  }
0xdf: {  	[hbm4b:s17+s4] =	stream.linear.scatter [tilespmem:s13], [sflag:$0x2], $0x2000, $0x38;
	[tilespmem:$0xA000] =	vst v63  }
.LBB2_21:
0xe0: {  	_ =	sfence.sel $0x180000  }
0xe1: {  	[bflag:$0x0] =	sbarrier.arrive $0xFFFF  }
0xe2: {  	p0 =	sne.s32 s2, $0x0;
	_ =	strace $0x90000047  }
0xe3: {  	s0 =	sadd.s32 @!p0 $0x100000, s0;
	[bflag:$0x2] =	sbarrier.arrive $0xFFFF  }
0xe4: {  	[sflag:s0] =	ssyncadd.tile.s32 @!p0 $0x1;
	_ =	shalt  }
.Lfunc_end2:
_tile_overlayer_lowered:
.L_overlay_start_2:
0xe5: {  	(tag) =	ssettag $0x2  }
0xe6: {  	s0 =	rddreg [dreg:$0x0];
	s2 =	stileid.u32  }
0xe7: {  	s1 =	rddreg [dreg:$0x1];
	p0 =	sne.s32 s2, $0x0  }
0xe8: {  	s3 =	rddreg [dreg:$0x2];
	[bflag:$0x3] =	sbarrier.arrive $0xFFFF;
	s2 =	simm.s32 @!p0 $0x1C03  }
0xe9: {  	[timem:s3], [sflag:s2] =	dma.local @!p0 [hbm:s0], s1  }
0xea: {  	s0 =	simm.s32 @!p0 $0x3  }
0xeb: {  	_ =	swait.ge @!p0 [sflag:s0], s1  }
0xec: {  	s1 =	ssub.s32 @!p0 $0x0, s1;
	[sflag:s0] =	ssyncset.done @!p0 $0x0  }
0xed: {  	[sflag:s0] =	ssyncadd.s32 @!p0 s1  }
0xee: {  	[bflag:$0x3] =	sbarrier.arrive $0xFFFF  }
0xef: {  	_ =	shalt  }

</sc_bundles>
